<compile_context>
chip_gen: v7x
topology: tpu7x:2x2x1
jax: 0.10.2.dev20260603
libtpu: 0.0.44.dev20260713+nightly
codegen_flags: <defaults>
</compile_context>

<pallas_src>
import functools

import jax
import jax.numpy as jnp
from jax import lax
from jax.experimental import pallas as pl
from jax.experimental.pallas import tpu as pltpu
from jax.experimental.pallas import tpu_sc as plsc

_N, _T, _K = 4096, 200, 32
_LANES = 16
_NW = 32
_TPW = _N // _NW
_NG = _TPW // _LANES
_MAX_IV = 100.0


def _rw_body(ch_hbm, rw_hbm, par_hbm, out_hbm, ch_v, rw_v, par_v, buf,
             sem_a, sem_b):
    wid = lax.axis_index("s") * 2 + lax.axis_index("c")
    base = wid * _TPW

    pltpu.sync_copy(ch_hbm.at[pl.ds(base, _TPW), :], ch_v)
    pltpu.sync_copy(rw_hbm.at[pl.ds(base, _TPW), :], rw_v)
    pltpu.sync_copy(par_hbm, par_v)

    lanes = lax.iota(jnp.int32, _LANES)
    one = jnp.full((_LANES,), 1.0, jnp.float32)
    ap = one / (one + jnp.exp(-par_v[0, :]))
    am = one / (one + jnp.exp(-par_v[1, :]))
    e2 = jnp.exp(par_v[2, :] * 2.0)
    iv = _MAX_IV * (e2 - one) / (e2 + one)

    def init_body(tk, acc):
        for h in range(2):
            buf[tk, pl.ds(h * _LANES, _LANES)] = iv
        return acc

    lax.fori_loop(0, 2 * _TPW, init_body, 0)

    def out_row(t):
        return out_hbm.at[pl.ds(base, _TPW), t]

    def snap(slot):
        return buf.at[pl.ds(slot * _TPW, _TPW)]

    pltpu.make_async_copy(snap(0), out_row(0), sem_a).start()

    def row_body(t, carry):
        pidx, pval = carry
        slot = lax.rem(t, 2)
        srow = slot * _TPW

        @pl.when(slot == 0)
        def _():
            pltpu.make_async_copy(snap(0), out_row(t), sem_a).wait()

        @pl.when(jnp.logical_and(slot == 1, t >= 3))
        def _():
            pltpu.make_async_copy(snap(1), out_row(t), sem_b).wait()

        tm1 = jnp.full((_LANES,), 0, jnp.int32) + (t - 1)
        nidx = []
        nval = []
        for g in range(_NG):
            tids = lanes + (g * _LANES)
            trow = tids + srow
            plsc.store_scatter(buf, [trow, pidx[g]], pval[g])
            ch = plsc.load_gather(ch_v, [tids, tm1])
            rw = plsc.load_gather(rw_v, [tids, tm1])
            chosen = plsc.load_gather(buf, [trow, ch])
            pe = rw - chosen
            pe = jnp.where(rw != rw, jnp.zeros_like(pe), pe)
            coef = jnp.where(pe >= 0.0, ap, am)
            val = chosen + coef * pe
            plsc.store_scatter(buf, [trow, ch], val)
            nidx.append(ch)
            nval.append(val)

        @pl.when(slot == 0)
        def _():
            pltpu.make_async_copy(snap(0), out_row(t), sem_a).start()

        @pl.when(slot == 1)
        def _():
            pltpu.make_async_copy(snap(1), out_row(t), sem_b).start()

        return tuple(nidx), tuple(nval)

    carry0 = (tuple(lanes for _ in range(_NG)),
              tuple(iv for _ in range(_NG)))
    lax.fori_loop(1, _T, row_body, carry0)

    pltpu.make_async_copy(snap(0), out_row(0), sem_a).wait()
    pltpu.make_async_copy(snap(1), out_row(1), sem_b).wait()


_rw_kernel = functools.partial(
    pl.kernel,
    out_type=jax.ShapeDtypeStruct((_N, _T, _K), jnp.float32),
    mesh=plsc.VectorSubcoreMesh(core_axis_name="c", subcore_axis_name="s"),
    compiler_params=pltpu.CompilerParams(needs_layout_passes=False),
    scratch_types=[
        pltpu.VMEM((_TPW, _T), jnp.int32),
        pltpu.VMEM((_TPW, _T), jnp.float32),
        pltpu.VMEM((3, _LANES), jnp.float32),
        pltpu.VMEM((2 * _TPW, _K), jnp.float32),
        pltpu.SemaphoreType.DMA,
        pltpu.SemaphoreType.DMA,
    ],
)(_rw_body)


def kernel(choices, rewards, alpha_plus, alpha_minus, initial_values):
    par = jnp.stack([alpha_plus, alpha_minus, initial_values])
    par = jnp.broadcast_to(par.astype(jnp.float32)[:, None], (3, _LANES))
    return _rw_kernel(choices.astype(jnp.int32), rewards.astype(jnp.float32),
                      par)

# --- scband reference (transcript-rebuilt; emitter-appended) ---
"""Pipeline reference for scband-tabular-rescorla-wagner-plus-minus-value-updating-7670811590764 (READ-ONLY COPY).

The authoritative reference and input builder live on the scoring server;
editing this copy changes nothing except your own understanding.
"""

import jax, jax.numpy as jnp
import numpy as np

N, T, K = 4096, 200, 32
MAX_INITIAL_VALUES = 100.0


def setup_inputs(seed: int = 0) -> dict:
    key = jax.random.key(seed)
    k1, k2, k3, k4, k5 = jax.random.split(key, 5)
    choices = jax.random.randint(k1, (N, T), 0, K, dtype=jnp.int64 if jax.config.jax_enable_x64 else jnp.int32).astype(jnp.int32)
    rewards = jax.random.normal(k2, (N, T), dtype=jnp.float32)
    alpha_plus = (0.01 * jax.random.normal(k3, (), dtype=jnp.float32))
    alpha_minus = (0.01 * jax.random.normal(k4, (), dtype=jnp.float32))
    initial_values = (0.01 * jax.random.normal(k5, (), dtype=jnp.float32))
    return {
        "choices": choices,
        "rewards": rewards,
        "alpha_plus": alpha_plus,
        "alpha_minus": alpha_minus,
        "initial_values": initial_values,
    }


def reference(choices, rewards, alpha_plus, alpha_minus, initial_values):
    n_tasks, n_trials = choices.shape
    iv = MAX_INITIAL_VALUES * jnp.tanh(initial_values)
    ap = jax.nn.sigmoid(alpha_plus)
    am = jax.nn.sigmoid(alpha_minus)
    v0 = jnp.ones((n_tasks, K), dtype=jnp.float32) * iv
    row_idx = jnp.arange(n_tasks)

    def step(v, inp):
        ch, rw = inp
        chosen = v[row_idx, ch]
        pe = rw - chosen
        pe = jnp.where(jnp.isnan(rw), 0.0, pe)
        upd = (chosen
               + ap * pe * (pe >= 0).astype(jnp.float32)
               + am * pe * (pe < 0).astype(jnp.float32))
        v_next = v.at[row_idx, ch].set(upd)
        return v_next, v_next

    xs = (jnp.transpose(choices[:, : n_trials - 1]),
          jnp.transpose(rewards[:, : n_trials - 1]))
    _, vs = jax.lax.scan(step, v0, xs)
    values = jnp.concatenate([v0[:, None, :], jnp.transpose(vs, (1, 0, 2))], axis=1)
    return values

if __name__ == "__main__":
    import jax
    _d = setup_inputs()
    print(jax.jit(kernel)(*tuple(_d.values())))

</pallas_src>

<mosaic_0001>
#map = affine_map<(d0, d1) -> (0, 0)>
#map1 = affine_map<(d0, d1) -> (0, 0, 0)>
module attributes {stable_mosaic.version = 14 : i64} {
  func.func @_rw_body(%arg0: i32, %arg1: i32, %arg2: memref<4096x200xi32, #tpu.memory_space<hbm>>, %arg3: memref<4096x200xf32, #tpu.memory_space<hbm>>, %arg4: memref<3x16xf32, #tpu.memory_space<hbm>>, %arg5: memref<4096x200x32xf32, #tpu.memory_space<hbm>>, %arg6: memref<128x200xi32, #tpu.memory_space<vmem>>, %arg7: memref<128x200xf32, #tpu.memory_space<vmem>>, %arg8: memref<3x16xf32, #tpu.memory_space<vmem>>, %arg9: memref<256x32xf32, #tpu.memory_space<vmem>>, %arg10: memref<!tpu.dma_semaphore, #tpu.memory_space<semaphore_mem>>, %arg11: memref<!tpu.dma_semaphore, #tpu.memory_space<semaphore_mem>>) attributes {dimension_semantics = [#tpu.dimension_semantics<core_parallel>, #tpu.dimension_semantics<subcore_parallel>], iteration_bounds = array<i64: 2, 16>, scalar_prefetch = 0 : i64, scratch_operands = 6 : i64, tpu.core_type = #tpu.core_type<sc_vector_subcore>, window_params = [{transform_indices = #map}, {transform_indices = #map}, {transform_indices = #map}, {transform_indices = #map1}]} {
    %mul3A = arith.constant 2 : i32
    %mul3A_0 = arith.muli %arg1, %mul3A : i32
    %add3A = arith.addi %mul3A_0, %arg0 : i32
    %mul3A_1 = arith.constant 128 : i32
    %mul3A_2 = arith.muli %add3A, %mul3A_1 : i32
    "tpu.region"() ({
      %run_scoped3A = tpu.sem_alloc : memref<!tpu.dma_semaphore, #tpu.memory_space<semaphore_mem>>
      %dma_start3A_81 = arith.constant 0 : i32
      %dma_start3A_82 = tpu.memref_slice %arg2[%mul3A_2, %dma_start3A_81] : memref<4096x200xi32, #tpu.memory_space<hbm>> -> memref<128x200xi32, #tpu.memory_space<hbm>>
      %dma_start3A_83 = arith.constant 0 : i32
      %dma_start3A_84 = tpu.memref_slice %arg2[%mul3A_2, %dma_start3A_83] : memref<4096x200xi32, #tpu.memory_space<hbm>> -> memref<128x200xi32, #tpu.memory_space<hbm>>
      tpu.enqueue_dma source(%dma_start3A_84 : memref<128x200xi32, #tpu.memory_space<hbm>>) target(%arg6 : memref<128x200xi32, #tpu.memory_space<vmem>>) target_semaphore(%run_scoped3A : memref<!tpu.dma_semaphore, #tpu.memory_space<semaphore_mem>>)
      %dma_wait3A_85 = arith.constant 0 : i32
      %dma_wait3A_86 = tpu.memref_slice %arg2[%mul3A_2, %dma_wait3A_85] : memref<4096x200xi32, #tpu.memory_space<hbm>> -> memref<128x200xi32, #tpu.memory_space<hbm>>
      %dma_wait3A_87 = arith.constant 0 : i32
      %dma_wait3A_88 = tpu.memref_slice %arg2[%mul3A_2, %dma_wait3A_87] : memref<4096x200xi32, #tpu.memory_space<hbm>> -> memref<128x200xi32, #tpu.memory_space<hbm>>
      tpu.wait_dma2 semaphore(%run_scoped3A : memref<!tpu.dma_semaphore, #tpu.memory_space<semaphore_mem>>) src(%dma_wait3A_88 : memref<128x200xi32, #tpu.memory_space<hbm>>) dst(%arg6 : memref<128x200xi32, #tpu.memory_space<vmem>>)
      tpu.yield
    }) : () -> ()
    "tpu.region"() ({
      %run_scoped3A = tpu.sem_alloc : memref<!tpu.dma_semaphore, #tpu.memory_space<semaphore_mem>>
      %dma_start3A_81 = arith.constant 0 : i32
      %dma_start3A_82 = tpu.memref_slice %arg3[%mul3A_2, %dma_start3A_81] : memref<4096x200xf32, #tpu.memory_space<hbm>> -> memref<128x200xf32, #tpu.memory_space<hbm>>
      %dma_start3A_83 = arith.constant 0 : i32
      %dma_start3A_84 = tpu.memref_slice %arg3[%mul3A_2, %dma_start3A_83] : memref<4096x200xf32, #tpu.memory_space<hbm>> -> memref<128x200xf32, #tpu.memory_space<hbm>>
      tpu.enqueue_dma source(%dma_start3A_84 : memref<128x200xf32, #tpu.memory_space<hbm>>) target(%arg7 : memref<128x200xf32, #tpu.memory_space<vmem>>) target_semaphore(%run_scoped3A : memref<!tpu.dma_semaphore, #tpu.memory_space<semaphore_mem>>)
      %dma_wait3A_85 = arith.constant 0 : i32
      %dma_wait3A_86 = tpu.memref_slice %arg3[%mul3A_2, %dma_wait3A_85] : memref<4096x200xf32, #tpu.memory_space<hbm>> -> memref<128x200xf32, #tpu.memory_space<hbm>>
      %dma_wait3A_87 = arith.constant 0 : i32
      %dma_wait3A_88 = tpu.memref_slice %arg3[%mul3A_2, %dma_wait3A_87] : memref<4096x200xf32, #tpu.memory_space<hbm>> -> memref<128x200xf32, #tpu.memory_space<hbm>>
      tpu.wait_dma2 semaphore(%run_scoped3A : memref<!tpu.dma_semaphore, #tpu.memory_space<semaphore_mem>>) src(%dma_wait3A_88 : memref<128x200xf32, #tpu.memory_space<hbm>>) dst(%arg7 : memref<128x200xf32, #tpu.memory_space<vmem>>)
      tpu.yield
    }) : () -> ()
    "tpu.region"() ({
      %run_scoped3A = tpu.sem_alloc : memref<!tpu.dma_semaphore, #tpu.memory_space<semaphore_mem>>
      tpu.enqueue_dma source(%arg4 : memref<3x16xf32, #tpu.memory_space<hbm>>) target(%arg8 : memref<3x16xf32, #tpu.memory_space<vmem>>) target_semaphore(%run_scoped3A : memref<!tpu.dma_semaphore, #tpu.memory_space<semaphore_mem>>)
      tpu.wait_dma2 semaphore(%run_scoped3A : memref<!tpu.dma_semaphore, #tpu.memory_space<semaphore_mem>>) src(%arg4 : memref<3x16xf32, #tpu.memory_space<hbm>>) dst(%arg8 : memref<3x16xf32, #tpu.memory_space<vmem>>)
      tpu.yield
    }) : () -> ()
    %iota3A = tpu.iota {dimensions = array<i32: 0>} : vector<16xi32>
    %broadcast_in_dim3A = arith.constant 1.000000e+00 : f32
    %broadcast_in_dim3A_3 = vector.broadcast %broadcast_in_dim3A : f32 to vector<16xf32>
    %get3A = arith.constant 0 : i32
    %get3A_4 = arith.index_cast %get3A : i32 to index
    %get3A_5 = arith.constant 0 : index
    %get3A_6 = tpu.vector_load %arg8[%get3A_4, %get3A_5] {strides = array<i32>} : memref<3x16xf32, #tpu.memory_space<vmem>>, vector<16xf32>,
    %neg3A = arith.constant 0.000000e+00 : f32
    %neg3A_7 = vector.broadcast %neg3A : f32 to vector<16xf32>
    %neg3A_8 = arith.subf %neg3A_7, %get3A_6 : vector<16xf32>
    %exp3A = math.exp %neg3A_8 : vector<16xf32>
    %add3A_9 = arith.addf %broadcast_in_dim3A_3, %exp3A : vector<16xf32>
    %div3A = arith.divf %broadcast_in_dim3A_3, %add3A_9 : vector<16xf32>
    %get3A_10 = arith.constant 1 : i32
    %get3A_11 = arith.index_cast %get3A_10 : i32 to index
    %get3A_12 = arith.constant 0 : index
    %get3A_13 = tpu.vector_load %arg8[%get3A_11, %get3A_12] {strides = array<i32>} : memref<3x16xf32, #tpu.memory_space<vmem>>, vector<16xf32>,
    %neg3A_14 = arith.constant 0.000000e+00 : f32
    %neg3A_15 = vector.broadcast %neg3A_14 : f32 to vector<16xf32>
    %neg3A_16 = arith.subf %neg3A_15, %get3A_13 : vector<16xf32>
    %exp3A_17 = math.exp %neg3A_16 : vector<16xf32>
    %add3A_18 = arith.addf %broadcast_in_dim3A_3, %exp3A_17 : vector<16xf32>
    %div3A_19 = arith.divf %broadcast_in_dim3A_3, %add3A_18 : vector<16xf32>
    %get3A_20 = arith.constant 2 : i32
    %get3A_21 = arith.index_cast %get3A_20 : i32 to index
    %get3A_22 = arith.constant 0 : index
    %get3A_23 = tpu.vector_load %arg8[%get3A_21, %get3A_22] {strides = array<i32>} : memref<3x16xf32, #tpu.memory_space<vmem>>, vector<16xf32>,
    %mul3A_24 = arith.constant 2.000000e+00 : f32
    %mul3A_25 = vector.broadcast %mul3A_24 : f32 to vector<16xf32>
    %mul3A_26 = arith.mulf %get3A_23, %mul3A_25 : vector<16xf32>
    %exp3A_27 = math.exp %mul3A_26 : vector<16xf32>
    %sub3A = arith.subf %exp3A_27, %broadcast_in_dim3A_3 : vector<16xf32>
    %mul3A_28 = arith.constant 1.000000e+02 : f32
    %mul3A_29 = vector.broadcast %mul3A_28 : f32 to vector<16xf32>
    %mul3A_30 = arith.mulf %mul3A_29, %sub3A : vector<16xf32>
    %add3A_31 = arith.addf %exp3A_27, %broadcast_in_dim3A_3 : vector<16xf32>
    %div3A_32 = arith.divf %mul3A_30, %add3A_31 : vector<16xf32>
    %scan3A = arith.constant 0 : i32
    %scan3A_33 = arith.constant 0 : i32
    %scan3A_34 = arith.constant 256 : i32
    %scan3A_35 = arith.addi %scan3A_33, %scan3A_34 : i32
    %scan3A_36 = arith.constant 1 : i32
    scf.for %scan3A_81 = %scan3A_33 to %scan3A_35 step %scan3A_36  : i32 {
      %swap3A = arith.index_cast %scan3A_81 : i32 to index
      %swap3A_82 = arith.constant 0 : index
      %swap3A_83 = tpu.vector_load %arg9[%swap3A, %swap3A_82] {strides = array<i32>} : memref<256x32xf32, #tpu.memory_space<vmem>>, vector<16xf32>,
      tpu.vector_store %arg9[%swap3A, %swap3A_82], %div3A_32 {strides = array<i32>} : memref<256x32xf32, #tpu.memory_space<vmem>>, vector<16xf32>,
      %swap3A_84 = arith.index_cast %scan3A_81 : i32 to index
      %swap3A_85 = arith.constant 16 : index
      %swap3A_86 = tpu.vector_load %arg9[%swap3A_84, %swap3A_85] {strides = array<i32>} : memref<256x32xf32, #tpu.memory_space<vmem>>, vector<16xf32>,
      tpu.vector_store %arg9[%swap3A_84, %swap3A_85], %div3A_32 {strides = array<i32>} : memref<256x32xf32, #tpu.memory_space<vmem>>, vector<16xf32>,
    }
    %scan3A_37 = arith.constant 256 : i32
    %dma_start3A = arith.constant 0 : i32
    %dma_start3A_38 = arith.constant 0 : i32
    %dma_start3A_39 = arith.constant 0 : i32
    %dma_start3A_40 = tpu.memref_slice %arg9[%dma_start3A_38, %dma_start3A_39] : memref<256x32xf32, #tpu.memory_space<vmem>> -> memref<128x32xf32, #tpu.memory_space<vmem>>
    %dma_start3A_41 = arith.constant 0 : i32
    %dma_start3A_42 = tpu.memref_slice %arg5[%mul3A_2, %dma_start3A, %dma_start3A_41] : memref<4096x200x32xf32, #tpu.memory_space<hbm>> -> memref<128x1x32xf32, #tpu.memory_space<hbm>>
    %dma_start3A_43 = tpu.memref_squeeze %dma_start3A_42 : memref<128x1x32xf32, #tpu.memory_space<hbm>> -> memref<128x32xf32, #tpu.memory_space<hbm>>
    %dma_start3A_44 = arith.constant 0 : i32
    %dma_start3A_45 = tpu.memref_slice %arg5[%mul3A_2, %dma_start3A, %dma_start3A_44] : memref<4096x200x32xf32, #tpu.memory_space<hbm>> -> memref<128x1x32xf32, #tpu.memory_space<hbm>>
    %dma_start3A_46 = tpu.memref_squeeze %dma_start3A_45 : memref<128x1x32xf32, #tpu.memory_space<hbm>> -> memref<128x32xf32, #tpu.memory_space<hbm>>
    %dma_start3A_47 = arith.constant 0 : i32
    %dma_start3A_48 = arith.constant 0 : i32
    %dma_start3A_49 = tpu.memref_slice %arg9[%dma_start3A_47, %dma_start3A_48] : memref<256x32xf32, #tpu.memory_space<vmem>> -> memref<128x32xf32, #tpu.memory_space<vmem>>
    tpu.enqueue_dma source(%dma_start3A_49 : memref<128x32xf32, #tpu.memory_space<vmem>>) target(%dma_start3A_46 : memref<128x32xf32, #tpu.memory_space<hbm>>) target_semaphore(%arg10 : memref<!tpu.dma_semaphore, #tpu.memory_space<semaphore_mem>>)
    %scan3A_50 = arith.constant 1 : i32
    %scan3A_51 = arith.constant 199 : i32
    %scan3A_52 = arith.addi %scan3A_50, %scan3A_51 : i32
    %scan3A_53 = arith.constant 1 : i32
    %scan3A_54:16 = scf.for %scan3A_81 = %scan3A_50 to %scan3A_52 step %scan3A_53 iter_args(%scan3A_82 = %iota3A, %scan3A_83 = %iota3A, %scan3A_84 = %iota3A, %scan3A_85 = %iota3A, %scan3A_86 = %iota3A, %scan3A_87 = %iota3A, %scan3A_88 = %iota3A, %scan3A_89 = %iota3A, %scan3A_90 = %div3A_32, %scan3A_91 = %div3A_32, %scan3A_92 = %div3A_32, %scan3A_93 = %div3A_32, %scan3A_94 = %div3A_32, %scan3A_95 = %div3A_32, %scan3A_96 = %div3A_32, %scan3A_97 = %div3A_32) -> (vector<16xi32>, vector<16xi32>, vector<16xi32>, vector<16xi32>, vector<16xi32>, vector<16xi32>, vector<16xi32>, vector<16xi32>, vector<16xf32>, vector<16xf32>, vector<16xf32>, vector<16xf32>, vector<16xf32>, vector<16xf32>, vector<16xf32>, vector<16xf32>)  : i32 {
      %rem3A = arith.constant 2 : i32
      %rem3A_98 = arith.remsi %scan3A_81, %rem3A : i32
      %mul3A_99 = arith.constant 128 : i32
      %mul3A_100 = arith.muli %rem3A_98, %mul3A_99 : i32
      %eq3A = arith.constant 0 : i32
      %eq3A_101 = arith.cmpi eq, %rem3A_98, %eq3A : i32
      %convert_element_type3A = arith.extui %eq3A_101 : i1 to i32
      %cond3A = arith.constant 0 : i32
      %cond3A_102 = arith.cmpi ne, %convert_element_type3A, %cond3A : i32
      scf.if %cond3A_102 {
        %dma_wait3A_274 = arith.constant 0 : i32
        %dma_wait3A_275 = arith.constant 0 : i32
        %dma_wait3A_276 = tpu.memref_slice %arg9[%dma_wait3A_274, %dma_wait3A_275] : memref<256x32xf32, #tpu.memory_space<vmem>> -> memref<128x32xf32, #tpu.memory_space<vmem>>
        %dma_wait3A_277 = arith.constant 0 : i32
        %dma_wait3A_278 = tpu.memref_slice %arg5[%mul3A_2, %scan3A_81, %dma_wait3A_277] : memref<4096x200x32xf32, #tpu.memory_space<hbm>> -> memref<128x1x32xf32, #tpu.memory_space<hbm>>
        %dma_wait3A_279 = tpu.memref_squeeze %dma_wait3A_278 : memref<128x1x32xf32, #tpu.memory_space<hbm>> -> memref<128x32xf32, #tpu.memory_space<hbm>>
        %dma_wait3A_280 = arith.constant 0 : i32
        %dma_wait3A_281 = tpu.memref_slice %arg5[%mul3A_2, %scan3A_81, %dma_wait3A_280] : memref<4096x200x32xf32, #tpu.memory_space<hbm>> -> memref<128x1x32xf32, #tpu.memory_space<hbm>>
        %dma_wait3A_282 = tpu.memref_squeeze %dma_wait3A_281 : memref<128x1x32xf32, #tpu.memory_space<hbm>> -> memref<128x32xf32, #tpu.memory_space<hbm>>
        %dma_wait3A_283 = arith.constant 0 : i32
        %dma_wait3A_284 = arith.constant 0 : i32
        %dma_wait3A_285 = tpu.memref_slice %arg9[%dma_wait3A_283, %dma_wait3A_284] : memref<256x32xf32, #tpu.memory_space<vmem>> -> memref<128x32xf32, #tpu.memory_space<vmem>>
        tpu.wait_dma2 semaphore(%arg10 : memref<!tpu.dma_semaphore, #tpu.memory_space<semaphore_mem>>) src(%dma_wait3A_285 : memref<128x32xf32, #tpu.memory_space<vmem>>) dst(%dma_wait3A_282 : memref<128x32xf32, #tpu.memory_space<hbm>>)
      } else {
      }
      %eq3A_103 = arith.constant 1 : i32
      %eq3A_104 = arith.cmpi eq, %rem3A_98, %eq3A_103 : i32
      %ge3A = arith.constant 3 : i32
      %ge3A_105 = arith.cmpi sge, %scan3A_81, %ge3A : i32
      %and3A = arith.andi %eq3A_104, %ge3A_105 : i1
      %convert_element_type3A_106 = arith.extui %and3A : i1 to i32
      %cond3A_107 = arith.constant 0 : i32
      %cond3A_108 = arith.cmpi ne, %convert_element_type3A_106, %cond3A_107 : i32
      scf.if %cond3A_108 {
        %dma_wait3A_274 = arith.constant 128 : i32
        %dma_wait3A_275 = arith.constant 0 : i32
        %dma_wait3A_276 = tpu.memref_slice %arg9[%dma_wait3A_274, %dma_wait3A_275] : memref<256x32xf32, #tpu.memory_space<vmem>> -> memref<128x32xf32, #tpu.memory_space<vmem>>
        %dma_wait3A_277 = arith.constant 0 : i32
        %dma_wait3A_278 = tpu.memref_slice %arg5[%mul3A_2, %scan3A_81, %dma_wait3A_277] : memref<4096x200x32xf32, #tpu.memory_space<hbm>> -> memref<128x1x32xf32, #tpu.memory_space<hbm>>
        %dma_wait3A_279 = tpu.memref_squeeze %dma_wait3A_278 : memref<128x1x32xf32, #tpu.memory_space<hbm>> -> memref<128x32xf32, #tpu.memory_space<hbm>>
        %dma_wait3A_280 = arith.constant 0 : i32
        %dma_wait3A_281 = tpu.memref_slice %arg5[%mul3A_2, %scan3A_81, %dma_wait3A_280] : memref<4096x200x32xf32, #tpu.memory_space<hbm>> -> memref<128x1x32xf32, #tpu.memory_space<hbm>>
        %dma_wait3A_282 = tpu.memref_squeeze %dma_wait3A_281 : memref<128x1x32xf32, #tpu.memory_space<hbm>> -> memref<128x32xf32, #tpu.memory_space<hbm>>
        %dma_wait3A_283 = arith.constant 128 : i32
        %dma_wait3A_284 = arith.constant 0 : i32
        %dma_wait3A_285 = tpu.memref_slice %arg9[%dma_wait3A_283, %dma_wait3A_284] : memref<256x32xf32, #tpu.memory_space<vmem>> -> memref<128x32xf32, #tpu.memory_space<vmem>>
        tpu.wait_dma2 semaphore(%arg11 : memref<!tpu.dma_semaphore, #tpu.memory_space<semaphore_mem>>) src(%dma_wait3A_285 : memref<128x32xf32, #tpu.memory_space<vmem>>) dst(%dma_wait3A_282 : memref<128x32xf32, #tpu.memory_space<hbm>>)
      } else {
      }
      %broadcast_in_dim3A_109 = arith.constant 0 : i32
      %broadcast_in_dim3A_110 = vector.broadcast %broadcast_in_dim3A_109 : i32 to vector<16xi32>
      %sub3A_111 = arith.constant 1 : i32
      %sub3A_112 = arith.subi %scan3A_81, %sub3A_111 : i32
      %add3A_113 = vector.broadcast %sub3A_112 : i32 to vector<16xi32>
      %add3A_114 = arith.addi %broadcast_in_dim3A_110, %add3A_113 : vector<16xi32>
      %add3A_115 = arith.constant 0 : i32
      %add3A_116 = vector.broadcast %add3A_115 : i32 to vector<16xi32>
      %add3A_117 = arith.addi %iota3A, %add3A_116 : vector<16xi32>
      %add3A_118 = vector.broadcast %mul3A_100 : i32 to vector<16xi32>
      %add3A_119 = arith.addi %add3A_117, %add3A_118 : vector<16xi32>
      tpu.vector_store_idx %arg9[%add3A_119, %scan3A_82], %scan3A_90 : memref<256x32xf32, #tpu.memory_space<vmem>>[vector<16xi32>, vector<16xi32>], vector<16xf32>,
      %gather3A = tpu.vector_load_idx %arg6[%add3A_117, %add3A_114] : memref<128x200xi32, #tpu.memory_space<vmem>>[vector<16xi32>, vector<16xi32>], vector<16xi32>,
      %gather3A_120 = tpu.vector_load_idx %arg7[%add3A_117, %add3A_114] : memref<128x200xf32, #tpu.memory_space<vmem>>[vector<16xi32>, vector<16xi32>], vector<16xf32>,
      %gather3A_121 = tpu.vector_load_idx %arg9[%add3A_119, %gather3A] : memref<256x32xf32, #tpu.memory_space<vmem>>[vector<16xi32>, vector<16xi32>], vector<16xf32>,
      %sub3A_122 = arith.subf %gather3A_120, %gather3A_121 : vector<16xf32>
      %ne3A = arith.cmpf one, %gather3A_120, %gather3A_120 : vector<16xf32>
      %broadcast_in_dim3A_123 = arith.constant 0.000000e+00 : f32
      %broadcast_in_dim3A_124 = vector.broadcast %broadcast_in_dim3A_123 : f32 to vector<16xf32>
      %select_n3A = arith.select %ne3A, %broadcast_in_dim3A_124, %sub3A_122 : vector<16xi1>, vector<16xf32>
      %ge3A_125 = arith.constant 0.000000e+00 : f32
      %ge3A_126 = vector.broadcast %ge3A_125 : f32 to vector<16xf32>
      %ge3A_127 = arith.cmpf oge, %select_n3A, %ge3A_126 : vector<16xf32>
      %select_n3A_128 = arith.select %ge3A_127, %div3A, %div3A_19 : vector<16xi1>, vector<16xf32>
      %mul3A_129 = arith.mulf %select_n3A_128, %select_n3A : vector<16xf32>
      %add3A_130 = arith.addf %gather3A_121, %mul3A_129 : vector<16xf32>
      tpu.vector_store_idx %arg9[%add3A_119, %gather3A], %add3A_130 : memref<256x32xf32, #tpu.memory_space<vmem>>[vector<16xi32>, vector<16xi32>], vector<16xf32>,
      %add3A_131 = arith.constant 16 : i32
      %add3A_132 = vector.broadcast %add3A_131 : i32 to vector<16xi32>
      %add3A_133 = arith.addi %iota3A, %add3A_132 : vector<16xi32>
      %add3A_134 = vector.broadcast %mul3A_100 : i32 to vector<16xi32>
      %add3A_135 = arith.addi %add3A_133, %add3A_134 : vector<16xi32>
      tpu.vector_store_idx %arg9[%add3A_135, %scan3A_83], %scan3A_91 : memref<256x32xf32, #tpu.memory_space<vmem>>[vector<16xi32>, vector<16xi32>], vector<16xf32>,
      %gather3A_136 = tpu.vector_load_idx %arg6[%add3A_133, %add3A_114] : memref<128x200xi32, #tpu.memory_space<vmem>>[vector<16xi32>, vector<16xi32>], vector<16xi32>,
      %gather3A_137 = tpu.vector_load_idx %arg7[%add3A_133, %add3A_114] : memref<128x200xf32, #tpu.memory_space<vmem>>[vector<16xi32>, vector<16xi32>], vector<16xf32>,
      %gather3A_138 = tpu.vector_load_idx %arg9[%add3A_135, %gather3A_136] : memref<256x32xf32, #tpu.memory_space<vmem>>[vector<16xi32>, vector<16xi32>], vector<16xf32>,
      %sub3A_139 = arith.subf %gather3A_137, %gather3A_138 : vector<16xf32>
      %ne3A_140 = arith.cmpf one, %gather3A_137, %gather3A_137 : vector<16xf32>
      %broadcast_in_dim3A_141 = arith.constant 0.000000e+00 : f32
      %broadcast_in_dim3A_142 = vector.broadcast %broadcast_in_dim3A_141 : f32 to vector<16xf32>
      %select_n3A_143 = arith.select %ne3A_140, %broadcast_in_dim3A_142, %sub3A_139 : vector<16xi1>, vector<16xf32>
      %ge3A_144 = arith.constant 0.000000e+00 : f32
      %ge3A_145 = vector.broadcast %ge3A_144 : f32 to vector<16xf32>
      %ge3A_146 = arith.cmpf oge, %select_n3A_143, %ge3A_145 : vector<16xf32>
      %select_n3A_147 = arith.select %ge3A_146, %div3A, %div3A_19 : vector<16xi1>, vector<16xf32>
      %mul3A_148 = arith.mulf %select_n3A_147, %select_n3A_143 : vector<16xf32>
      %add3A_149 = arith.addf %gather3A_138, %mul3A_148 : vector<16xf32>
      tpu.vector_store_idx %arg9[%add3A_135, %gather3A_136], %add3A_149 : memref<256x32xf32, #tpu.memory_space<vmem>>[vector<16xi32>, vector<16xi32>], vector<16xf32>,
      %add3A_150 = arith.constant 32 : i32
      %add3A_151 = vector.broadcast %add3A_150 : i32 to vector<16xi32>
      %add3A_152 = arith.addi %iota3A, %add3A_151 : vector<16xi32>
      %add3A_153 = vector.broadcast %mul3A_100 : i32 to vector<16xi32>
      %add3A_154 = arith.addi %add3A_152, %add3A_153 : vector<16xi32>
      tpu.vector_store_idx %arg9[%add3A_154, %scan3A_84], %scan3A_92 : memref<256x32xf32, #tpu.memory_space<vmem>>[vector<16xi32>, vector<16xi32>], vector<16xf32>,
      %gather3A_155 = tpu.vector_load_idx %arg6[%add3A_152, %add3A_114] : memref<128x200xi32, #tpu.memory_space<vmem>>[vector<16xi32>, vector<16xi32>], vector<16xi32>,
      %gather3A_156 = tpu.vector_load_idx %arg7[%add3A_152, %add3A_114] : memref<128x200xf32, #tpu.memory_space<vmem>>[vector<16xi32>, vector<16xi32>], vector<16xf32>,
      %gather3A_157 = tpu.vector_load_idx %arg9[%add3A_154, %gather3A_155] : memref<256x32xf32, #tpu.memory_space<vmem>>[vector<16xi32>, vector<16xi32>], vector<16xf32>,
      %sub3A_158 = arith.subf %gather3A_156, %gather3A_157 : vector<16xf32>
      %ne3A_159 = arith.cmpf one, %gather3A_156, %gather3A_156 : vector<16xf32>
      %broadcast_in_dim3A_160 = arith.constant 0.000000e+00 : f32
      %broadcast_in_dim3A_161 = vector.broadcast %broadcast_in_dim3A_160 : f32 to vector<16xf32>
      %select_n3A_162 = arith.select %ne3A_159, %broadcast_in_dim3A_161, %sub3A_158 : vector<16xi1>, vector<16xf32>
      %ge3A_163 = arith.constant 0.000000e+00 : f32
      %ge3A_164 = vector.broadcast %ge3A_163 : f32 to vector<16xf32>
      %ge3A_165 = arith.cmpf oge, %select_n3A_162, %ge3A_164 : vector<16xf32>
      %select_n3A_166 = arith.select %ge3A_165, %div3A, %div3A_19 : vector<16xi1>, vector<16xf32>
      %mul3A_167 = arith.mulf %select_n3A_166, %select_n3A_162 : vector<16xf32>
      %add3A_168 = arith.addf %gather3A_157, %mul3A_167 : vector<16xf32>
      tpu.vector_store_idx %arg9[%add3A_154, %gather3A_155], %add3A_168 : memref<256x32xf32, #tpu.memory_space<vmem>>[vector<16xi32>, vector<16xi32>], vector<16xf32>,
      %add3A_169 = arith.constant 48 : i32
      %add3A_170 = vector.broadcast %add3A_169 : i32 to vector<16xi32>
      %add3A_171 = arith.addi %iota3A, %add3A_170 : vector<16xi32>
      %add3A_172 = vector.broadcast %mul3A_100 : i32 to vector<16xi32>
      %add3A_173 = arith.addi %add3A_171, %add3A_172 : vector<16xi32>
      tpu.vector_store_idx %arg9[%add3A_173, %scan3A_85], %scan3A_93 : memref<256x32xf32, #tpu.memory_space<vmem>>[vector<16xi32>, vector<16xi32>], vector<16xf32>,
      %gather3A_174 = tpu.vector_load_idx %arg6[%add3A_171, %add3A_114] : memref<128x200xi32, #tpu.memory_space<vmem>>[vector<16xi32>, vector<16xi32>], vector<16xi32>,
      %gather3A_175 = tpu.vector_load_idx %arg7[%add3A_171, %add3A_114] : memref<128x200xf32, #tpu.memory_space<vmem>>[vector<16xi32>, vector<16xi32>], vector<16xf32>,
      %gather3A_176 = tpu.vector_load_idx %arg9[%add3A_173, %gather3A_174] : memref<256x32xf32, #tpu.memory_space<vmem>>[vector<16xi32>, vector<16xi32>], vector<16xf32>,
      %sub3A_177 = arith.subf %gather3A_175, %gather3A_176 : vector<16xf32>
      %ne3A_178 = arith.cmpf one, %gather3A_175, %gather3A_175 : vector<16xf32>
      %broadcast_in_dim3A_179 = arith.constant 0.000000e+00 : f32
      %broadcast_in_dim3A_180 = vector.broadcast %broadcast_in_dim3A_179 : f32 to vector<16xf32>
      %select_n3A_181 = arith.select %ne3A_178, %broadcast_in_dim3A_180, %sub3A_177 : vector<16xi1>, vector<16xf32>
      %ge3A_182 = arith.constant 0.000000e+00 : f32
      %ge3A_183 = vector.broadcast %ge3A_182 : f32 to vector<16xf32>
      %ge3A_184 = arith.cmpf oge, %select_n3A_181, %ge3A_183 : vector<16xf32>
      %select_n3A_185 = arith.select %ge3A_184, %div3A, %div3A_19 : vector<16xi1>, vector<16xf32>
      %mul3A_186 = arith.mulf %select_n3A_185, %select_n3A_181 : vector<16xf32>
      %add3A_187 = arith.addf %gather3A_176, %mul3A_186 : vector<16xf32>
      tpu.vector_store_idx %arg9[%add3A_173, %gather3A_174], %add3A_187 : memref<256x32xf32, #tpu.memory_space<vmem>>[vector<16xi32>, vector<16xi32>], vector<16xf32>,
      %add3A_188 = arith.constant 64 : i32
      %add3A_189 = vector.broadcast %add3A_188 : i32 to vector<16xi32>
      %add3A_190 = arith.addi %iota3A, %add3A_189 : vector<16xi32>
      %add3A_191 = vector.broadcast %mul3A_100 : i32 to vector<16xi32>
      %add3A_192 = arith.addi %add3A_190, %add3A_191 : vector<16xi32>
      tpu.vector_store_idx %arg9[%add3A_192, %scan3A_86], %scan3A_94 : memref<256x32xf32, #tpu.memory_space<vmem>>[vector<16xi32>, vector<16xi32>], vector<16xf32>,
      %gather3A_193 = tpu.vector_load_idx %arg6[%add3A_190, %add3A_114] : memref<128x200xi32, #tpu.memory_space<vmem>>[vector<16xi32>, vector<16xi32>], vector<16xi32>,
      %gather3A_194 = tpu.vector_load_idx %arg7[%add3A_190, %add3A_114] : memref<128x200xf32, #tpu.memory_space<vmem>>[vector<16xi32>, vector<16xi32>], vector<16xf32>,
      %gather3A_195 = tpu.vector_load_idx %arg9[%add3A_192, %gather3A_193] : memref<256x32xf32, #tpu.memory_space<vmem>>[vector<16xi32>, vector<16xi32>], vector<16xf32>,
      %sub3A_196 = arith.subf %gather3A_194, %gather3A_195 : vector<16xf32>
      %ne3A_197 = arith.cmpf one, %gather3A_194, %gather3A_194 : vector<16xf32>
      %broadcast_in_dim3A_198 = arith.constant 0.000000e+00 : f32
      %broadcast_in_dim3A_199 = vector.broadcast %broadcast_in_dim3A_198 : f32 to vector<16xf32>
      %select_n3A_200 = arith.select %ne3A_197, %broadcast_in_dim3A_199, %sub3A_196 : vector<16xi1>, vector<16xf32>
      %ge3A_201 = arith.constant 0.000000e+00 : f32
      %ge3A_202 = vector.broadcast %ge3A_201 : f32 to vector<16xf32>
      %ge3A_203 = arith.cmpf oge, %select_n3A_200, %ge3A_202 : vector<16xf32>
      %select_n3A_204 = arith.select %ge3A_203, %div3A, %div3A_19 : vector<16xi1>, vector<16xf32>
      %mul3A_205 = arith.mulf %select_n3A_204, %select_n3A_200 : vector<16xf32>
      %add3A_206 = arith.addf %gather3A_195, %mul3A_205 : vector<16xf32>
      tpu.vector_store_idx %arg9[%add3A_192, %gather3A_193], %add3A_206 : memref<256x32xf32, #tpu.memory_space<vmem>>[vector<16xi32>, vector<16xi32>], vector<16xf32>,
      %add3A_207 = arith.constant 80 : i32
      %add3A_208 = vector.broadcast %add3A_207 : i32 to vector<16xi32>
      %add3A_209 = arith.addi %iota3A, %add3A_208 : vector<16xi32>
      %add3A_210 = vector.broadcast %mul3A_100 : i32 to vector<16xi32>
      %add3A_211 = arith.addi %add3A_209, %add3A_210 : vector<16xi32>
      tpu.vector_store_idx %arg9[%add3A_211, %scan3A_87], %scan3A_95 : memref<256x32xf32, #tpu.memory_space<vmem>>[vector<16xi32>, vector<16xi32>], vector<16xf32>,
      %gather3A_212 = tpu.vector_load_idx %arg6[%add3A_209, %add3A_114] : memref<128x200xi32, #tpu.memory_space<vmem>>[vector<16xi32>, vector<16xi32>], vector<16xi32>,
      %gather3A_213 = tpu.vector_load_idx %arg7[%add3A_209, %add3A_114] : memref<128x200xf32, #tpu.memory_space<vmem>>[vector<16xi32>, vector<16xi32>], vector<16xf32>,
      %gather3A_214 = tpu.vector_load_idx %arg9[%add3A_211, %gather3A_212] : memref<256x32xf32, #tpu.memory_space<vmem>>[vector<16xi32>, vector<16xi32>], vector<16xf32>,
      %sub3A_215 = arith.subf %gather3A_213, %gather3A_214 : vector<16xf32>
      %ne3A_216 = arith.cmpf one, %gather3A_213, %gather3A_213 : vector<16xf32>
      %broadcast_in_dim3A_217 = arith.constant 0.000000e+00 : f32
      %broadcast_in_dim3A_218 = vector.broadcast %broadcast_in_dim3A_217 : f32 to vector<16xf32>
      %select_n3A_219 = arith.select %ne3A_216, %broadcast_in_dim3A_218, %sub3A_215 : vector<16xi1>, vector<16xf32>
      %ge3A_220 = arith.constant 0.000000e+00 : f32
      %ge3A_221 = vector.broadcast %ge3A_220 : f32 to vector<16xf32>
      %ge3A_222 = arith.cmpf oge, %select_n3A_219, %ge3A_221 : vector<16xf32>
      %select_n3A_223 = arith.select %ge3A_222, %div3A, %div3A_19 : vector<16xi1>, vector<16xf32>
      %mul3A_224 = arith.mulf %select_n3A_223, %select_n3A_219 : vector<16xf32>
      %add3A_225 = arith.addf %gather3A_214, %mul3A_224 : vector<16xf32>
      tpu.vector_store_idx %arg9[%add3A_211, %gather3A_212], %add3A_225 : memref<256x32xf32, #tpu.memory_space<vmem>>[vector<16xi32>, vector<16xi32>], vector<16xf32>,
      %add3A_226 = arith.constant 96 : i32
      %add3A_227 = vector.broadcast %add3A_226 : i32 to vector<16xi32>
      %add3A_228 = arith.addi %iota3A, %add3A_227 : vector<16xi32>
      %add3A_229 = vector.broadcast %mul3A_100 : i32 to vector<16xi32>
      %add3A_230 = arith.addi %add3A_228, %add3A_229 : vector<16xi32>
      tpu.vector_store_idx %arg9[%add3A_230, %scan3A_88], %scan3A_96 : memref<256x32xf32, #tpu.memory_space<vmem>>[vector<16xi32>, vector<16xi32>], vector<16xf32>,
      %gather3A_231 = tpu.vector_load_idx %arg6[%add3A_228, %add3A_114] : memref<128x200xi32, #tpu.memory_space<vmem>>[vector<16xi32>, vector<16xi32>], vector<16xi32>,
      %gather3A_232 = tpu.vector_load_idx %arg7[%add3A_228, %add3A_114] : memref<128x200xf32, #tpu.memory_space<vmem>>[vector<16xi32>, vector<16xi32>], vector<16xf32>,
      %gather3A_233 = tpu.vector_load_idx %arg9[%add3A_230, %gather3A_231] : memref<256x32xf32, #tpu.memory_space<vmem>>[vector<16xi32>, vector<16xi32>], vector<16xf32>,
      %sub3A_234 = arith.subf %gather3A_232, %gather3A_233 : vector<16xf32>
      %ne3A_235 = arith.cmpf one, %gather3A_232, %gather3A_232 : vector<16xf32>
      %broadcast_in_dim3A_236 = arith.constant 0.000000e+00 : f32
      %broadcast_in_dim3A_237 = vector.broadcast %broadcast_in_dim3A_236 : f32 to vector<16xf32>
      %select_n3A_238 = arith.select %ne3A_235, %broadcast_in_dim3A_237, %sub3A_234 : vector<16xi1>, vector<16xf32>
      %ge3A_239 = arith.constant 0.000000e+00 : f32
      %ge3A_240 = vector.broadcast %ge3A_239 : f32 to vector<16xf32>
      %ge3A_241 = arith.cmpf oge, %select_n3A_238, %ge3A_240 : vector<16xf32>
      %select_n3A_242 = arith.select %ge3A_241, %div3A, %div3A_19 : vector<16xi1>, vector<16xf32>
      %mul3A_243 = arith.mulf %select_n3A_242, %select_n3A_238 : vector<16xf32>
      %add3A_244 = arith.addf %gather3A_233, %mul3A_243 : vector<16xf32>
      tpu.vector_store_idx %arg9[%add3A_230, %gather3A_231], %add3A_244 : memref<256x32xf32, #tpu.memory_space<vmem>>[vector<16xi32>, vector<16xi32>], vector<16xf32>,
      %add3A_245 = arith.constant 112 : i32
      %add3A_246 = vector.broadcast %add3A_245 : i32 to vector<16xi32>
      %add3A_247 = arith.addi %iota3A, %add3A_246 : vector<16xi32>
      %add3A_248 = vector.broadcast %mul3A_100 : i32 to vector<16xi32>
      %add3A_249 = arith.addi %add3A_247, %add3A_248 : vector<16xi32>
      tpu.vector_store_idx %arg9[%add3A_249, %scan3A_89], %scan3A_97 : memref<256x32xf32, #tpu.memory_space<vmem>>[vector<16xi32>, vector<16xi32>], vector<16xf32>,
      %gather3A_250 = tpu.vector_load_idx %arg6[%add3A_247, %add3A_114] : memref<128x200xi32, #tpu.memory_space<vmem>>[vector<16xi32>, vector<16xi32>], vector<16xi32>,
      %gather3A_251 = tpu.vector_load_idx %arg7[%add3A_247, %add3A_114] : memref<128x200xf32, #tpu.memory_space<vmem>>[vector<16xi32>, vector<16xi32>], vector<16xf32>,
      %gather3A_252 = tpu.vector_load_idx %arg9[%add3A_249, %gather3A_250] : memref<256x32xf32, #tpu.memory_space<vmem>>[vector<16xi32>, vector<16xi32>], vector<16xf32>,
      %sub3A_253 = arith.subf %gather3A_251, %gather3A_252 : vector<16xf32>
      %ne3A_254 = arith.cmpf one, %gather3A_251, %gather3A_251 : vector<16xf32>
      %broadcast_in_dim3A_255 = arith.constant 0.000000e+00 : f32
      %broadcast_in_dim3A_256 = vector.broadcast %broadcast_in_dim3A_255 : f32 to vector<16xf32>
      %select_n3A_257 = arith.select %ne3A_254, %broadcast_in_dim3A_256, %sub3A_253 : vector<16xi1>, vector<16xf32>
      %ge3A_258 = arith.constant 0.000000e+00 : f32
      %ge3A_259 = vector.broadcast %ge3A_258 : f32 to vector<16xf32>
      %ge3A_260 = arith.cmpf oge, %select_n3A_257, %ge3A_259 : vector<16xf32>
      %select_n3A_261 = arith.select %ge3A_260, %div3A, %div3A_19 : vector<16xi1>, vector<16xf32>
      %mul3A_262 = arith.mulf %select_n3A_261, %select_n3A_257 : vector<16xf32>
      %add3A_263 = arith.addf %gather3A_252, %mul3A_262 : vector<16xf32>
      tpu.vector_store_idx %arg9[%add3A_249, %gather3A_250], %add3A_263 : memref<256x32xf32, #tpu.memory_space<vmem>>[vector<16xi32>, vector<16xi32>], vector<16xf32>,
      %eq3A_264 = arith.constant 0 : i32
      %eq3A_265 = arith.cmpi eq, %rem3A_98, %eq3A_264 : i32
      %convert_element_type3A_266 = arith.extui %eq3A_265 : i1 to i32
      %cond3A_267 = arith.constant 0 : i32
      %cond3A_268 = arith.cmpi ne, %convert_element_type3A_266, %cond3A_267 : i32
      scf.if %cond3A_268 {
        %dma_start3A_274 = arith.constant 0 : i32
        %dma_start3A_275 = arith.constant 0 : i32
        %dma_start3A_276 = tpu.memref_slice %arg9[%dma_start3A_274, %dma_start3A_275] : memref<256x32xf32, #tpu.memory_space<vmem>> -> memref<128x32xf32, #tpu.memory_space<vmem>>
        %dma_start3A_277 = arith.constant 0 : i32
        %dma_start3A_278 = tpu.memref_slice %arg5[%mul3A_2, %scan3A_81, %dma_start3A_277] : memref<4096x200x32xf32, #tpu.memory_space<hbm>> -> memref<128x1x32xf32, #tpu.memory_space<hbm>>
        %dma_start3A_279 = tpu.memref_squeeze %dma_start3A_278 : memref<128x1x32xf32, #tpu.memory_space<hbm>> -> memref<128x32xf32, #tpu.memory_space<hbm>>
        %dma_start3A_280 = arith.constant 0 : i32
        %dma_start3A_281 = tpu.memref_slice %arg5[%mul3A_2, %scan3A_81, %dma_start3A_280] : memref<4096x200x32xf32, #tpu.memory_space<hbm>> -> memref<128x1x32xf32, #tpu.memory_space<hbm>>
        %dma_start3A_282 = tpu.memref_squeeze %dma_start3A_281 : memref<128x1x32xf32, #tpu.memory_space<hbm>> -> memref<128x32xf32, #tpu.memory_space<hbm>>
        %dma_start3A_283 = arith.constant 0 : i32
        %dma_start3A_284 = arith.constant 0 : i32
        %dma_start3A_285 = tpu.memref_slice %arg9[%dma_start3A_283, %dma_start3A_284] : memref<256x32xf32, #tpu.memory_space<vmem>> -> memref<128x32xf32, #tpu.memory_space<vmem>>
        tpu.enqueue_dma source(%dma_start3A_285 : memref<128x32xf32, #tpu.memory_space<vmem>>) target(%dma_start3A_282 : memref<128x32xf32, #tpu.memory_space<hbm>>) target_semaphore(%arg10 : memref<!tpu.dma_semaphore, #tpu.memory_space<semaphore_mem>>)
      } else {
      }
      %eq3A_269 = arith.constant 1 : i32
      %eq3A_270 = arith.cmpi eq, %rem3A_98, %eq3A_269 : i32
      %convert_element_type3A_271 = arith.extui %eq3A_270 : i1 to i32
      %cond3A_272 = arith.constant 0 : i32
      %cond3A_273 = arith.cmpi ne, %convert_element_type3A_271, %cond3A_272 : i32
      scf.if %cond3A_273 {
        %dma_start3A_274 = arith.constant 128 : i32
        %dma_start3A_275 = arith.constant 0 : i32
        %dma_start3A_276 = tpu.memref_slice %arg9[%dma_start3A_274, %dma_start3A_275] : memref<256x32xf32, #tpu.memory_space<vmem>> -> memref<128x32xf32, #tpu.memory_space<vmem>>
        %dma_start3A_277 = arith.constant 0 : i32
        %dma_start3A_278 = tpu.memref_slice %arg5[%mul3A_2, %scan3A_81, %dma_start3A_277] : memref<4096x200x32xf32, #tpu.memory_space<hbm>> -> memref<128x1x32xf32, #tpu.memory_space<hbm>>
        %dma_start3A_279 = tpu.memref_squeeze %dma_start3A_278 : memref<128x1x32xf32, #tpu.memory_space<hbm>> -> memref<128x32xf32, #tpu.memory_space<hbm>>
        %dma_start3A_280 = arith.constant 0 : i32
        %dma_start3A_281 = tpu.memref_slice %arg5[%mul3A_2, %scan3A_81, %dma_start3A_280] : memref<4096x200x32xf32, #tpu.memory_space<hbm>> -> memref<128x1x32xf32, #tpu.memory_space<hbm>>
        %dma_start3A_282 = tpu.memref_squeeze %dma_start3A_281 : memref<128x1x32xf32, #tpu.memory_space<hbm>> -> memref<128x32xf32, #tpu.memory_space<hbm>>
        %dma_start3A_283 = arith.constant 128 : i32
        %dma_start3A_284 = arith.constant 0 : i32
        %dma_start3A_285 = tpu.memref_slice %arg9[%dma_start3A_283, %dma_start3A_284] : memref<256x32xf32, #tpu.memory_space<vmem>> -> memref<128x32xf32, #tpu.memory_space<vmem>>
        tpu.enqueue_dma source(%dma_start3A_285 : memref<128x32xf32, #tpu.memory_space<vmem>>) target(%dma_start3A_282 : memref<128x32xf32, #tpu.memory_space<hbm>>) target_semaphore(%arg11 : memref<!tpu.dma_semaphore, #tpu.memory_space<semaphore_mem>>)
      } else {
      }
      scf.yield %gather3A, %gather3A_136, %gather3A_155, %gather3A_174, %gather3A_193, %gather3A_212, %gather3A_231, %gather3A_250, %add3A_130, %add3A_149, %add3A_168, %add3A_187, %add3A_206, %add3A_225, %add3A_244, %add3A_263 : vector<16xi32>, vector<16xi32>, vector<16xi32>, vector<16xi32>, vector<16xi32>, vector<16xi32>, vector<16xi32>, vector<16xi32>, vector<16xf32>, vector<16xf32>, vector<16xf32>, vector<16xf32>, vector<16xf32>, vector<16xf32>, vector<16xf32>, vector<16xf32>
    }
    %scan3A_55 = arith.constant 199 : i32
    %dma_wait3A = arith.constant 0 : i32
    %dma_wait3A_56 = arith.constant 0 : i32
    %dma_wait3A_57 = arith.constant 0 : i32
    %dma_wait3A_58 = tpu.memref_slice %arg9[%dma_wait3A_56, %dma_wait3A_57] : memref<256x32xf32, #tpu.memory_space<vmem>> -> memref<128x32xf32, #tpu.memory_space<vmem>>
    %dma_wait3A_59 = arith.constant 0 : i32
    %dma_wait3A_60 = tpu.memref_slice %arg5[%mul3A_2, %dma_wait3A, %dma_wait3A_59] : memref<4096x200x32xf32, #tpu.memory_space<hbm>> -> memref<128x1x32xf32, #tpu.memory_space<hbm>>
    %dma_wait3A_61 = tpu.memref_squeeze %dma_wait3A_60 : memref<128x1x32xf32, #tpu.memory_space<hbm>> -> memref<128x32xf32, #tpu.memory_space<hbm>>
    %dma_wait3A_62 = arith.constant 0 : i32
    %dma_wait3A_63 = tpu.memref_slice %arg5[%mul3A_2, %dma_wait3A, %dma_wait3A_62] : memref<4096x200x32xf32, #tpu.memory_space<hbm>> -> memref<128x1x32xf32, #tpu.memory_space<hbm>>
    %dma_wait3A_64 = tpu.memref_squeeze %dma_wait3A_63 : memref<128x1x32xf32, #tpu.memory_space<hbm>> -> memref<128x32xf32, #tpu.memory_space<hbm>>
    %dma_wait3A_65 = arith.constant 0 : i32
    %dma_wait3A_66 = arith.constant 0 : i32
    %dma_wait3A_67 = tpu.memref_slice %arg9[%dma_wait3A_65, %dma_wait3A_66] : memref<256x32xf32, #tpu.memory_space<vmem>> -> memref<128x32xf32, #tpu.memory_space<vmem>>
    tpu.wait_dma2 semaphore(%arg10 : memref<!tpu.dma_semaphore, #tpu.memory_space<semaphore_mem>>) src(%dma_wait3A_67 : memref<128x32xf32, #tpu.memory_space<vmem>>) dst(%dma_wait3A_64 : memref<128x32xf32, #tpu.memory_space<hbm>>)
    %dma_wait3A_68 = arith.constant 1 : i32
    %dma_wait3A_69 = arith.constant 128 : i32
    %dma_wait3A_70 = arith.constant 0 : i32
    %dma_wait3A_71 = tpu.memref_slice %arg9[%dma_wait3A_69, %dma_wait3A_70] : memref<256x32xf32, #tpu.memory_space<vmem>> -> memref<128x32xf32, #tpu.memory_space<vmem>>
    %dma_wait3A_72 = arith.constant 0 : i32
    %dma_wait3A_73 = tpu.memref_slice %arg5[%mul3A_2, %dma_wait3A_68, %dma_wait3A_72] : memref<4096x200x32xf32, #tpu.memory_space<hbm>> -> memref<128x1x32xf32, #tpu.memory_space<hbm>>
    %dma_wait3A_74 = tpu.memref_squeeze %dma_wait3A_73 : memref<128x1x32xf32, #tpu.memory_space<hbm>> -> memref<128x32xf32, #tpu.memory_space<hbm>>
    %dma_wait3A_75 = arith.constant 0 : i32
    %dma_wait3A_76 = tpu.memref_slice %arg5[%mul3A_2, %dma_wait3A_68, %dma_wait3A_75] : memref<4096x200x32xf32, #tpu.memory_space<hbm>> -> memref<128x1x32xf32, #tpu.memory_space<hbm>>
    %dma_wait3A_77 = tpu.memref_squeeze %dma_wait3A_76 : memref<128x1x32xf32, #tpu.memory_space<hbm>> -> memref<128x32xf32, #tpu.memory_space<hbm>>
    %dma_wait3A_78 = arith.constant 128 : i32
    %dma_wait3A_79 = arith.constant 0 : i32
    %dma_wait3A_80 = tpu.memref_slice %arg9[%dma_wait3A_78, %dma_wait3A_79] : memref<256x32xf32, #tpu.memory_space<vmem>> -> memref<128x32xf32, #tpu.memory_space<vmem>>
    tpu.wait_dma2 semaphore(%arg11 : memref<!tpu.dma_semaphore, #tpu.memory_space<semaphore_mem>>) src(%dma_wait3A_80 : memref<128x32xf32, #tpu.memory_space<vmem>>) dst(%dma_wait3A_77 : memref<128x32xf32, #tpu.memory_space<hbm>>)
    return
  }
}

</mosaic_0001>

<sc_bundles>
// kernel: kernel.3.cloned.1.call-start
scs
__scs_entry_jumppad:
0x0: {  	(pc) =	sbr.rel $0x88, $3  }
0x1: {  	(tag) =	ssettag $0x0;
	lr =	simm.s32 $0x1  }
0x2: {  	[smem:$0x3F9C] =	sst lr;
	_ =	strace $0xD0000000  }
0x3: {  	_ = 	snop  }
0x4: {  	_ = 	snop  }
0x5: {  	_ = 	snop  }
0x6: {  	_ = 	snop  }
0x7: {  	_ = 	snop  }
__scs_overlays_trampoline_lowered:
0x8: {  	[smem:$0x3FAB] =	sst s0  }
0x9: {  	[smem:$0x3FAC] =	sst s1  }
0xa: {  	[smem:$0x3FAD] =	sst s2  }
0xb: {  	[smem:$0x3FAE] =	sst s3  }
0xc: {  	[smem:$0x3FAF] =	sst s4  }
0xd: {  	[smem:$0x3FB0] =	sst s5  }
0xe: {  	[smem:$0x3FB1] =	sst s6  }
0xf: {  	[smem:$0x3FB2] =	sst s7  }
0x10: {  	[smem:$0x3FB3] =	sst s8  }
0x11: {  	[smem:$0x3FB4] =	sst s9;
	s0 =	simm.s32 @!p0 $0x0  }
0x12: {  	s1 =	sld [smem:$0x3F9A];
	s0 =	simm.s32 @p0 $0x1  }
0x13: {  	[smem:$0x3FB5] =	sst s0;
	s0 =	simm.s32 @!p1 $0x0  }
0x14: {  	s2 =	sld [smem:$0x3F99];
	s0 =	simm.s32 @p1 $0x1  }
0x15: {  	[smem:$0x3FB6] =	sst s0;
	s0 =	simm.s32 @!p2 $0x0  }
0x16: {  	s3 =	sld [smem:$0x3FDB];
	s0 =	simm.s32 @p2 $0x1  }
0x17: {  	s4 =	simm.s32 $0x1BF5;
	[smem:$0x3FB8] =	sst s0  }
0x18: {  	s0 =	sld [smem:$0x3F9B];
	_ =	swait.ge [sflag:s4], $0x0  }
0x19: {  	s7 =	sld [smem:$0x3F9C]  }
0x1a: {  	s8 =	sadd.s32 $0xFFFFE003, lr  }
0x1b: {  	s9 =	sadd.s32 $0xFFFFFEF7, lr;
	s5 =	simm.s32 $0xFFFFFFFF;
	p2 =	slt.u32 s8, $0xFFFFF086  }
0x1c: {  	p1 =	slt.u32 s9, $0xF7A;
	s5 =	simm.s32 @!p2 $0x0  }
0x1d: {  	s5 =	simm.s32 @p1 $0x1;
	p0 =	seq.s32 s7, s2  }
0x1e: {  	s7 =	smul.u32 @!p0 $0xF7A, s2;
	p2 =	seq.s32 @!p0 s5, $0x0  }
0x1f: {  	s9 =	smul.u32 $0xF7A, s1;
	s8 =	simm.s32 @!p0 $0x1BF5;
	p2 =	por !p2, p0  }
0x20: {  	[sflag:s8] =	ssyncset.s32 @!p0 $0xFFFFF086;
	s6 =	sadd.s32 @!p0 s3, s7;
	s7 =	simm.s32 @!p0 $0x108  }
0x21: {  	s3 =	sadd.s32 s3, s9;
	s6 =	sadd.s32 @!p0 $0x88, s6;
	s7 =	simm.s32 @p2 $0x1082  }
0x22: {  	[simem:s7], [sflag:s8] =	dma.local @!p0 [hbm:s6], $0xF7A  }
0x23: {  	s9 =	sor.u32 $0xD0000000, s2;
	s6 =	simm.s32 $0x108;
	_ =	swait.ge @!p0 [sflag:s8], $0x0  }
0x24: {  	s3 =	sadd.s32 $0x88, s3;
	s6 =	simm.s32 @!p1 $0x1082;
	[sflag:s4] =	ssyncset.s32 $0xFFFFF086  }
0x25: {  	[simem:s6], [sflag:s4] =	dma.local [hbm:s3], $0xF7A  }
0x26: {  	[smem:$0x3F9C] =	sst s1;
	(tag) =	ssettag s2;
	_ =	strace s9  }
0x27: {  	s1 =	sld [smem:$0x3FAC]  }
0x28: {  	s2 =	sld [smem:$0x3FAD]  }
0x29: {  	s4 =	sld [smem:$0x3FAF]  }
0x2a: {  	p0 =	seq.s32 s5, $0x0;
	s5 =	sld [smem:$0x3FB0]  }
0x2b: {  	s6 =	sld [smem:$0x3FB1]  }
0x2c: {  	s7 =	sld [smem:$0x3FB2]  }
0x2d: {  	s3 =	simm.s32 $0x108;
	s8 =	sld [smem:$0x3FB3]  }
0x2e: {  	s3 =	simm.s32 @!p0 $0x1082;
	s9 =	sld [smem:$0x3FB4]  }
0x2f: {  	lr =	sadd.s32 s0, s3;
	s0 =	sld [smem:$0x3FAB]  }
0x30: {  	s3 =	sld [smem:$0x3FAE]  }
0x31: {  	[smem:$0x3FB7] =	sst s10  }
0x32: {  	s10 =	sld [smem:$0x3FB5];
	_ =	sdelay $0x3  }
0x33: {  	p0 =	seq.s32 s10, $0x1;
	s10 =	sld [smem:$0x3FB7];
	_ =	sdelay $0x3  }
0x34: {  	[smem:$0x3FB7] =	sst s10  }
0x35: {  	s10 =	sld [smem:$0x3FB6];
	_ =	sdelay $0x3  }
0x36: {  	p1 =	seq.s32 s10, $0x1;
	s10 =	sld [smem:$0x3FB7];
	_ =	sdelay $0x3  }
0x37: {  	[smem:$0x3FB7] =	sst s10  }
0x38: {  	s10 =	sld [smem:$0x3FB8]  }
0x39: {  	_ = 	snop;
	(pc) =	sbr.ind lr, $3  }
0x3a: {  	_ = 	snop  }
0x3b: {  	_ = 	snop  }
0x3c: {  	p2 =	seq.s32 s10, $0x1;
	s10 =	sld [smem:$0x3FB7]  }
0x3d: {  	_ =	shalt  }
0x3e: {  	_ =	shalt  }
0x3f: {  	_ =	shalt  }
0x40: {  	_ =	shalt  }
0x41: {  	_ =	shalt  }
0x42: {  	_ =	shalt  }
0x43: {  	_ =	shalt  }
0x44: {  	_ =	shalt  }
0x45: {  	_ =	shalt  }
0x46: {  	_ =	shalt  }
0x47: {  	_ =	shalt  }
0x48: {  	_ =	shalt  }
0x49: {  	_ =	shalt  }
0x4a: {  	_ =	shalt  }
0x4b: {  	_ =	shalt  }
0x4c: {  	_ =	shalt  }
0x4d: {  	_ =	shalt  }
0x4e: {  	_ =	shalt  }
0x4f: {  	_ =	shalt  }
0x50: {  	_ =	shalt  }
0x51: {  	_ =	shalt  }
0x52: {  	_ =	shalt  }
0x53: {  	_ =	shalt  }
0x54: {  	_ =	shalt  }
0x55: {  	_ =	shalt  }
0x56: {  	_ =	shalt  }
0x57: {  	_ =	shalt  }
0x58: {  	_ =	shalt  }
0x59: {  	_ =	shalt  }
0x5a: {  	_ =	shalt  }
0x5b: {  	_ =	shalt  }
0x5c: {  	_ =	shalt  }
0x5d: {  	_ =	shalt  }
0x5e: {  	_ =	shalt  }
0x5f: {  	_ =	shalt  }
0x60: {  	_ =	shalt  }
0x61: {  	_ =	shalt  }
0x62: {  	_ =	shalt  }
0x63: {  	_ =	shalt  }
0x64: {  	_ =	shalt  }
0x65: {  	_ =	shalt  }
0x66: {  	_ =	shalt  }
0x67: {  	_ =	shalt  }
0x68: {  	_ =	shalt  }
0x69: {  	_ =	shalt  }
0x6a: {  	_ =	shalt  }
0x6b: {  	_ =	shalt  }
0x6c: {  	_ =	shalt  }
0x6d: {  	_ =	shalt  }
0x6e: {  	_ =	shalt  }
0x6f: {  	_ =	shalt  }
0x70: {  	_ =	shalt  }
0x71: {  	_ =	shalt  }
0x72: {  	_ =	shalt  }
0x73: {  	_ =	shalt  }
0x74: {  	_ =	shalt  }
0x75: {  	_ =	shalt  }
0x76: {  	_ =	shalt  }
0x77: {  	_ =	shalt  }
0x78: {  	_ =	shalt  }
0x79: {  	_ =	shalt  }
0x7a: {  	_ =	shalt  }
0x7b: {  	_ =	shalt  }
0x7c: {  	_ =	shalt  }
0x7d: {  	_ =	shalt  }
0x7e: {  	_ =	shalt  }
0x7f: {  	_ =	shalt  }
0x80: {  	_ =	shalt  }
0x81: {  	_ =	shalt  }
0x82: {  	_ =	shalt  }
0x83: {  	_ =	shalt  }
0x84: {  	_ =	shalt  }
0x85: {  	_ =	shalt  }
0x86: {  	_ =	shalt  }
0x87: {  	_ =	shalt  }
.Lfunc_end0:
.L_simem_size_0:
called_computation_lowered:
.L_overlay_start_0:
0x88: {  	s2 =	sld [smem:$0x3FD9]  }
0x89: {  	s3 =	sld [smem:$0x3FFE];
	_ =	sdelay $0x1  }
0x8a: {  	s1 =	srdreg.scid  }
0x8b: {  	s0 =	sand.u32 $0x1, s1  }
0x8c: {  	s17 =	sshll.u32 s0, $0xA;
	s2 =	sadd.s32 s3, s2  }
0x8d: {  	s2 =	sadd.s32 s2, s17  }
0x8e: {  	[smem:$0x3FC3] =	sst s2  }
0x8f: {  	_ = 	snop  }
0x90: {  	s2 =	sld [smem:$0x3FD0];
	(tm) =	ssettm $0x1  }
0x91: {  	s18 =	sld [smem:$0x3FFB];
	_ =	sdelay $0x3  }
0x92: {  	_ =	strace s18  }
0x93: {  	s3 =	sld [smem:$0x3FFC];
	_ =	sdelay $0x3  }
0x94: {  	_ =	strace s3  }
0x95: {  	s3 =	sld [smem:$0x3FFD];
	_ =	sdelay $0x3  }
0x96: {  	_ =	strace s3  }
0x97: {  	_ =	strace $0x8FFFFFFF  }
0x98: {  	s19 =	sld [smem:$0x3FDB];
	_ =	sdelay $0x1  }
0x99: {  	s4 =	simm.s32 $_scs_section_size  }
0x9a: {  	s5 =	simm.s32 $_size__tile_overlayer_lowered;
	s6 =	simm.s32 $_tile_overlayer_lowered  }
0x9b: {  	s22 =	simm.s32 $0x1BFF;
	s21 =	sshll.u32 s6, $0x1;
	s3 =	sadd.s32 s4, s19  }
0x9c: {  	s7 =	simm.s32 $0x0;
	s20 =	sshll.u32 s5, $0x1;
	s5 =	sadd.s32 s21, s3  }
0x9d: {  	[timem:s7], [sflag:s22] =	dma.local [hbm:s5], s20  }
0x9e: {  	_ =	swait.ge [sflag:s22], s20  }
0x9f: {  	s4 =	ssub.s32 $0x0, s20;
	[sflag:s22] =	ssyncset.done $0x0  }
0xa0: {  	[sflag:s22] =	ssyncadd.s32 s4;
	_ =	sdelay $0x1  }
0xa1: {  	s23 =	simm.s32 $0x1B8B  }
0xa2: {  	_ =	swait.ge [sflag:s23], $0x1  }
0xa3: {  	[sflag:s23] =	ssyncset.done $0x0  }
0xa4: {  	s25 =	simm.s32 $0x1B8E;
	s24 =	sld [smem:$0x3FFE];
	[sflag:s23] =	ssyncadd.s32 $0xFFFFFFFF  }
0xa5: {  	s26 =	simm.s32 $execute0_lowered;
	[smem:$0x3FD2] =	sst s25  }
0xa6: {  	s5 =	sshll.u32 s26, $0x1;
	_ =	strace $0x80000046;
	[dreg:$0x1] =	wrdreg $0xFFFFFFFF  }
0xa7: {  	s28 =	simm.s32 $_size_execute0_lowered;
	s3 =	sadd.s32 s3, s5;
	[dreg:$0x0] =	wrdreg $0x0  }
0xa8: {  	s5 =	sshll.u32 s28, $0x1;
	[dreg:$0x2] =	wrdreg s3  }
0xa9: {  	[dreg:$0x3] =	wrdreg s5  }
0xaa: {  	[dreg:$0x4] =	wrdreg $0xC0  }
0xab: {  	_ =	task [dreg:s7], $0x5FFFF  }
0xac: {  	[dreg:$0x1] =	wrdreg $0xFFFFFFFF  }
0xad: {  	[dreg:$0x0] =	wrdreg $0x60  }
0xae: {  	[dreg:$0x2] =	wrdreg s2  }
0xaf: {  	[dreg:$0x3] =	wrdreg s24  }
0xb0: {  	[dreg:$0x4] =	wrdreg $0x9  }
0xb1: {  	_ =	task.clear_ibuf [dreg:s7], $0x5FFFF;
	_ =	strace $0x90000046  }
0xb2: {  	s29 =	simm.s32 $0x9;
	_ =	strace $0x80000048  }
0xb3: {  	_ =	swait.ge [sflag:s29], $0x1  }
0xb4: {  	[sflag:s29] =	ssyncadd.s32 $0xFFFFFFFF  }
0xb5: {  	_ =	strace $0x90000048  }
0xb6: {  	_ =	sfence  }
0xb7: {  	s30 =	sld [smem:$0x0];
	_ =	sdelay $0x2  }
0xb8: {  	s31 =	sshll.u32 s1, $0xD;
	s1 =	sshrl.u32 s1, $0x2  }
0xb9: {  	s3 =	sand.u32 $0x4000, s31;
	s1 =	sadd.s32 s1, s30  }
0xba: {  	s0 =	sor.u32 s3, s0;
	s1 =	sshll.u32 s1, $0x11  }
0xbb: {  	s0 =	sor.u32 s1, s0  }
0xbc: {  	s0 =	sadd.s32 $0x8F2B, s0  }
0xbd: {  	[sflag:s0] =	ssyncadd.remote.s32 $0x1  }
0xbe: {  	_ =	sfence.sel $0xFFFF  }
0xbf: {  	[dreg:$0x0] =	wrdreg $0xFFFFFFFF;
	(pc) =	sbr.abs _section_cstart, $3  }
0xc0: {  	[dreg:$0x1] =	wrdreg $0xFFFFFFFF  }
0xc1: {  	_ =	task.clear_ibuf [dreg:s7], $0x2FFFF;
	_ =	strace $0x9FFFFFFF  }
0xc2: {  	(tm) =	ssettm $0x7FFFFFFF  }
0xc3: {  	_ =	shalt  }
tec
execute0_lowered:
.L_overlay_start_1:
0x0: {  	(tag) =	ssettag $0x1  }
0x1: {  	v0 =	vlaneseq.u32;
	v7 =	vimm.s32 $0xB80  }
0x2: {  	vm14 =	vcmask $0x300;
	v8 =	vimm.s32 $0x1B80;
	vm13 =	vcmask $0x704  }
0x3: {  	vm12 =	vcmask $0xB08;
	vm11 =	vcmask $0xF0C;
	vm10 =	vcmask $0x1310  }
0x4: {  	vm9 =	vcmask $0x1714;
	vm8 =	vcmask $0x1B18;
	vm7 =	vcmask $0x1F1C  }
0x5: {  	vm6 =	vcmask $0x2320;
	vm5 =	vcmask $0x2724;
	vm4 =	vcmask $0x2B28  }
0x6: {  	vm3 =	vcmask $0x2F2C;
	vm2 =	vcmask $0x3330;
	vm0 =	vcmask $0x3734  }
0x7: {  	vm1 =	vcmask $0x3B38;
	v11 =	vimm.s32 $0x3B80;
	v12 =	vimm.s32 $0x4B80  }
0x8: {  	v13 =	vimm.s32 $0x5B80;
	v14 =	vimm.s32 $0x6B80;
	v15 =	vimm.s32 $0x7B80  }
0x9: {  	v0 =	vmul.u32 $0x80, v0;
	v7 =	vsel vm14, $0x0, v7;
	v8 =	vsel vm14, $0x1000, v8  }
0xa: {  	v11 =	vsel vm14, $0x3000, v11;
	v12 =	vsel vm14, $0x4000, v12;
	v13 =	vsel vm14, $0x5000, v13  }
0xb: {  	v14 =	vsel vm14, $0x6000, v14;
	v15 =	vsel vm14, $0x7000, v15;
	v7 =	vsel vm13, $0x80, v7  }
0xc: {  	v8 =	vsel vm13, $0x1080, v8;
	v11 =	vsel vm13, $0x3080, v11;
	v12 =	vsel vm13, $0x4080, v12  }
0xd: {  	v13 =	vsel vm13, $0x5080, v13;
	v14 =	vsel vm13, $0x6080, v14;
	v15 =	vsel vm13, $0x7080, v15  }
0xe: {  	v1 =	vor.u32 $0x3800, v0;
	v2 =	vor.u32 $0x3000, v0;
	v3 =	vor.u32 $0x2800, v0  }
0xf: {  	v4 =	vor.u32 $0x2000, v0;
	v5 =	vor.u32 $0x1800, v0;
	v6 =	vor.u32 $0x1000, v0  }
0x10: {  	v7 =	vsel vm12, $0x100, v7;
	v8 =	vsel vm12, $0x1100, v8;
	v11 =	vsel vm12, $0x3100, v11  }
0x11: {  	v12 =	vsel vm12, $0x4100, v12;
	v13 =	vsel vm12, $0x5100, v13;
	v14 =	vsel vm12, $0x6100, v14  }
0x12: {  	v15 =	vsel vm12, $0x7100, v15;
	v7 =	vsel vm11, $0x180, v7;
	v8 =	vsel vm11, $0x1180, v8  }
0x13: {  	v11 =	vsel vm11, $0x3180, v11;
	v12 =	vsel vm11, $0x4180, v12;
	v13 =	vsel vm11, $0x5180, v13  }
0x14: {  	v14 =	vsel vm11, $0x6180, v14;
	v15 =	vsel vm11, $0x7180, v15;
	v7 =	vsel vm10, $0x200, v7  }
0x15: {  	v8 =	vsel vm10, $0x1200, v8;
	v11 =	vsel vm10, $0x3200, v11;
	v12 =	vsel vm10, $0x4200, v12  }
0x16: {  	v13 =	vsel vm10, $0x5200, v13;
	v14 =	vsel vm10, $0x6200, v14;
	v15 =	vsel vm10, $0x7200, v15  }
0x17: {  	v7 =	vsel vm9, $0x280, v7;
	v8 =	vsel vm9, $0x1280, v8;
	v11 =	vsel vm9, $0x3280, v11  }
0x18: {  	v12 =	vsel vm9, $0x4280, v12;
	v13 =	vsel vm9, $0x5280, v13;
	v14 =	vsel vm9, $0x6280, v14  }
0x19: {  	v15 =	vsel vm9, $0x7280, v15;
	v7 =	vsel vm8, $0x300, v7;
	v8 =	vsel vm8, $0x1300, v8  }
0x1a: {  	v11 =	vsel vm8, $0x3300, v11;
	v12 =	vsel vm8, $0x4300, v12;
	v13 =	vsel vm8, $0x5300, v13  }
0x1b: {  	v14 =	vsel vm8, $0x6300, v14;
	v15 =	vsel vm8, $0x7300, v15;
	v7 =	vsel vm7, $0x380, v7  }
0x1c: {  	v8 =	vsel vm7, $0x1380, v8;
	v11 =	vsel vm7, $0x3380, v11;
	v12 =	vsel vm7, $0x4380, v12  }
0x1d: {  	v13 =	vsel vm7, $0x5380, v13;
	v14 =	vsel vm7, $0x6380, v14;
	v15 =	vsel vm7, $0x7380, v15  }
0x1e: {  	v7 =	vsel vm6, $0x800, v7;
	v8 =	vsel vm6, $0x1800, v8;
	v11 =	vsel vm6, $0x3800, v11  }
0x1f: {  	v12 =	vsel vm6, $0x4800, v12;
	v7 =	vsel vm5, $0x880, v7;
	v8 =	vsel vm5, $0x1880, v8  }
0x20: {  	v13 =	vsel vm6, $0x5800, v13;
	v7 =	vsel vm4, $0x900, v7;
	v8 =	vsel vm4, $0x1900, v8  }
0x21: {  	v14 =	vsel vm6, $0x6800, v14;
	v7 =	vsel vm3, $0x980, v7;
	v8 =	vsel vm3, $0x1980, v8  }
0x22: {  	v15 =	vsel vm6, $0x7800, v15;
	v7 =	vsel vm2, $0xA00, v7;
	v8 =	vsel vm2, $0x1A00, v8  }
0x23: {  	v11 =	vsel vm5, $0x3880, v11;
	v9 =	vsel vm0, $0xA80, v7;
	v10 =	vsel vm0, $0x1A80, v8  }
0x24: {  	v8 =	vsel vm1, $0xB00, v9;
	v9 =	vsel vm1, $0x1B00, v10;
	v10 =	vimm.s32 $0x2B80  }
0x25: {  	v12 =	vsel vm5, $0x4880, v12;
	v13 =	vsel vm5, $0x5880, v13;
	v10 =	vsel vm14, $0x2000, v10  }
0x26: {  	s4 =	rddreg [dreg:$0x0];
	v14 =	vsel vm5, $0x6880, v14;
	v15 =	vsel vm5, $0x7880, v15;
	v10 =	vsel vm13, $0x2080, v10  }
0x27: {  	s1 =	srdreg.scid;
	s0 =	stileid.u32;
	v11 =	vsel vm4, $0x3900, v11;
	v12 =	vsel vm4, $0x4900, v12;
	v10 =	vsel vm12, $0x2100, v10  }
0x28: {  	s5 =	rddreg [dreg:$0x1];
	s2 =	simm.s32 $0x0;
	s13 =	simm.s32 $0x6400;
	v13 =	vsel vm4, $0x5900, v13;
	v14 =	vsel vm4, $0x6900, v14;
	v10 =	vsel vm11, $0x2180, v10  }
0x29: {  	s14 =	simm.s32 $0x10200;
	s15 =	simm.s32 $0x1;
	s16 =	simm.s32 $0x2;
	v15 =	vsel vm4, $0x7900, v15;
	v11 =	vsel vm3, $0x3980, v11;
	v10 =	vsel vm10, $0x2200, v10  }
0x2a: {  	s17 =	simm.s32 $0x0;
	s6 =	sand.u32 $0x1, s1;
	s1 =	rddreg [dreg:$0x2];
	v12 =	vsel vm3, $0x4980, v12;
	v13 =	vsel vm3, $0x5980, v13;
	v10 =	vsel vm9, $0x2280, v10  }
0x2b: {  	s3 =	sshll.u32 s0, $0x1;
	[smem:$0x7FF] =	sst s2;
	s9 =	smul.u32 $0x640000, s0;
	v14 =	vsel vm3, $0x6980, v14;
	v15 =	vsel vm3, $0x7980, v15;
	v10 =	vsel vm8, $0x2300, v10  }
0x2c: {  	s12 =	sadd.s32 $0x20C00, s5;
	s7 =	sor.u32 s6, s3;
	_ =	strace $0x80000047;
	v11 =	vsel vm2, $0x3A00, v11;
	v12 =	vsel vm2, $0x4A00, v12;
	v10 =	vsel vm7, $0x2380, v10  }
0x2d: {  	s11 =	smul.u32 $0x320000, s6;
	s3 =	sadd.s32 $0x600, s5;
	s28 =	ssub.s32 $0x2, s6;
	v13 =	vsel vm2, $0x5A00, v13;
	v14 =	vsel vm2, $0x6A00, v14;
	v10 =	vsel vm6, $0x2800, v10  }
0x2e: {  	s8 =	sshll.u32 s7, $0xC;
	s6 =	sshrl.u32 s28, $0x1;
	s7 =	smul.u32 $0x320000, s7;
	v15 =	vsel vm2, $0x7A00, v15;
	v7 =	vor.u32 $0x800, v0;
	v10 =	vsel vm5, $0x2880, v10  }
0x2f: {  	s10 =	sadd.s32 s8, s5;
	s9 =	sadd.s32 s11, s9;
	s29 =	ssub.s32 s28, s6;
	v11 =	vsel vm0, $0x3A80, v11;
	v12 =	vsel vm0, $0x4A80, v12;
	v10 =	vsel vm4, $0x2900, v10  }
0x30: {  	s4 =	sadd.s32 s4, s8;
	s11 =	simm.s32 $0x10000;
	s30 =	sor.u32 $0x80, s9;
	v13 =	vsel vm0, $0x5A80, v13;
	v14 =	vsel vm0, $0x6A80, v14;
	v10 =	vsel vm3, $0x2980, v10  }
0x31: {  	s5 =	sadd.s32 $0xC00, s10;
	s7 =	sshrl.u32 s7, $0x3;
	s9 =	simm.s32 $0x3;
	v15 =	vsel vm0, $0x7A80, v15;
	v11 =	vsel vm1, $0x3B00, v11;
	v10 =	vsel vm2, $0x2A00, v10  }
0x32: {  	s10 =	simm.s32 $0x8000;
	s31 =	sshrl.u32 s30, $0x3;
	s6 =	sadd.s32 s12, s7;
	v12 =	vsel vm1, $0x4B00, v12;
	v13 =	vsel vm1, $0x5B00, v13;
	v10 =	vsel vm0, $0x2A80, v10  }
0x33: {  	s7 =	smax.u32 s29, $0x1;
	s8 =	sadd.s32 s31, s12;
	s12 =	simm.s32 $0x80;
	v14 =	vsel vm1, $0x6B00, v14;
	v15 =	vsel vm1, $0x7B00, v15;
	v10 =	vsel vm1, $0x2B00, v10  }
.LBB2_1:
0x34: {  	[tilespmem:s2], [sflag:$0x3] =	stream.linear.gather [hbm4b:s4+s2], $0x8000, $0x38;
	[tilespmem:$0x18200] =	vst v63  }
0x35: {  	_ =	swait.ge [sflag:s9], $0x8000  }
0x36: {  	[sflag:s9] =	ssyncset.done $0x0  }
0x37: {  	[sflag:s9] =	ssyncadd.s32 $0xFFFF8000  }
0x38: {  	[tilespmem:s10], [sflag:$0x3] =	stream.linear.gather [hbm4b:s5+s2], $0x8000, $0x38;
	[tilespmem:$0x18200] =	vst v63  }
0x39: {  	_ =	swait.ge [sflag:s9], $0x8000  }
0x3a: {  	[sflag:s9] =	ssyncset.done $0x0  }
0x3b: {  	[sflag:s9] =	ssyncadd.s32 $0xFFFF8000  }
0x3c: {  	[tilespmem:s11], [sflag:$0x3] =	stream.linear.gather [hbm4b:s3+s2], $0x180, $0x38;
	[tilespmem:$0x18200] =	vst v63  }
0x3d: {  	_ =	swait.ge [sflag:s9], $0x180  }
0x3e: {  	[sflag:s9] =	ssyncset.done $0x0  }
0x3f: {  	[sflag:s9] =	ssyncadd.s32 $0xFFFFFE80  }
0x40: {  	v16 =	vld [tilespmem:$0x10100];
	_ =	sdelay $0x4  }
0x41: {  	v16 =	vadd.f32 v16, v16;
	_ =	sdelay $0x1  }
0x42: {  	v16 =	vmul.f32 $1.442695020e+00, v16;
	_ =	sdelay $0x1  }
0x43: {  	(erf) = vpow2.f32 v16;
	_ =	sdelay $0x8  }
0x44: {  	v16 =	vpop (erf)  }
0x45: {  	v17 =	vadd.f32 $1.000000000e+00, v16;
	_ =	sdelay $0x1  }
0x46: {  	(erf) = vrcp.f32 v17;
	_ =	sdelay $0x5  }
0x47: {  	v16 =	vadd.f32 $-1.000000000e+00, v16;
	_ =	sdelay $0x1  }
0x48: {  	v16 =	vmul.f32 $1.000000000e+02, v16  }
0x49: {  	v19 =	vpop (erf)  }
0x4a: {  	v18 =	vld [tilespmem:$0x10000];
	v16 =	vmul.f32 v19, v16  }
0x4b: {  	s19 =	simm.s32 $0x200;
	s18 =	simm.s32 $0x0;
	v17 =	vld [tilespmem:$0x10080]  }
.LBB2_2:
0x4c: {  	p0 =	sne.s32 s19, $0x1FE00;
	[tilespmem:s18+$0x10200] =	vst v16;
	s20 =	smov.u32 s19;
	s19 =	sadd.s32 $0x200, s19  }
.Ltmp0:
0x4d: {  	[tilespmem:s18+$0x10210] =	vst v16;
	(pc) =	sbr.rel @p0 .LBB2_2-.Ltmp0, $2  }
0x4e: {  	_ =	sdelay $0x2  }
0x4f: {  	s18 =	sshra.s32 s20, $0x2  }
0x50: {  	v18 =	vsub.f32 $0.0e+00, v18;
	_ =	sdelay $0x1  }
0x51: {  	v18 =	vmul.f32 $1.442695020e+00, v18;
	_ =	sdelay $0x1  }
0x52: {  	(erf) = vpow2.f32 v18;
	_ =	sdelay $0x8  }
0x53: {  	v17 =	vsub.f32 $0.0e+00, v17;
	v18 =	vpop (erf)  }
0x54: {  	v18 =	vadd.f32 $1.000000000e+00, v18  }
0x55: {  	v17 =	vmul.f32 $1.442695020e+00, v17  }
0x56: {  	(erf) = vrcp.f32 v18  }
0x57: {  	(erf) = vpow2.f32 v17;
	_ =	sdelay $0x7  }
0x58: {  	v17 =	vpop (erf)  }
0x59: {  	v18 =	vpop (erf)  }
0x5a: {  	v18 =	vadd.f32 $1.000000000e+00, v18;
	_ =	sdelay $0x1  }
0x5b: {  	(erf) = vrcp.f32 v18;
	_ =	sdelay $0x5  }
0x5c: {  	v19 =	vlaneseq.u32;
	v20 =	vlaneseq.u32  }
0x5d: {  	[tilespmem:s18+$0x10200] =	vst v16;
	v21 =	vlaneseq.u32;
	v22 =	vlaneseq.u32;
	v23 =	vlaneseq.u32;
	v26 =	vmovc v16;
	v27 =	vmovc v16  }
0x5e: {  	[tilespmem:s18+$0x10210] =	vst v16;
	s21 =	simm.s32 $0x1;
	s18 =	smov.u32 s8;
	v28 =	vmovc v16;
	v29 =	vmovc v16;
	v30 =	vmov v16;
	v31 =	vmov v16;
	v32 =	vmov v16  }
0x5f: {  	v24 =	vlaneseq.u32;
	v25 =	vlaneseq.u32;
	v33 =	vlaneseq.u32;
	[hbm4b:s6+s12] =	stream.strided.scatter [tilespmem:s14], [sflag:$0x1], $0x4000, s13, s12, $0x38;
	v18 =	vpop (erf);
	[tilespmem:$0x18200] =	vst v63  }
.LBB2_4:
0x60: {  	s20 =	sand.u32 $0x1, s21  }
0x61: {  	s22 =	sshll.u32 s20, $0x7  }
0x62: {  	s19 =	sadd.s32 $0xFFFFFFFF, s21;
	v34 =	vmov s22  }
0x63: {  	v36 =	vand.u32 $0xFFFFFF80, v33;
	p0 =	seq.s32 s20, $0x1;
	v35 =	vmov s19;
	v34 =	vshll.u32 v34, $0x7  }
0x64: {  	v40 =	vand.u32 $0x7F, v33;
	s22 =	simm.s32 @!p0 $0x1;
	v38 =	vshll.u32 v35, $0x3;
	v37 =	vor.u32 v0, v34  }
0x65: {  	p1 =	slt.u32 s21, $0x3;
	v35 =	vand.u32 $0x7F, v35;
	_ =	swait.ge @!p0 [sflag:s22], $0x4000;
	v38 =	vand.u32 $0xFFFFFC00, v38;
	v36 =	vadd.s32 v36, v37  }
0x66: {  	p1 =	por !p0, p1;
	[sflag:s22] =	ssyncset.done @!p0 $0x0;
	v35 =	vor.u32 v35, v38;
	v33 =	vor.u32 v40, v36  }
0x67: {  	s21 =	simm.s32 @!p1 $0x2;
	[sflag:s22] =	ssyncadd.s32 @!p0 $0xFFFFC000;
	v41 =	vadd.s32 v8, v35  }
0x68: {  	_ =	swait.ge @!p1 [sflag:s21], $0x4000  }
0x69: {  	[sflag:s21] =	ssyncset.done @!p1 $0x0  }
0x6a: {  	[sflag:s21] =	ssyncadd.s32 @!p1 $0xFFFFC000  }
0x6b: {  	[tilespmem:v33+s14+$0x0] =	vst.idx.msk $0xffff, v32  }
0x6c: {  	v33 =	vld.idx.msk [tilespmem:v41+s2+$0x0], $0xffff;
	_ =	sdelay $0x4  }
0x6d: {  	v42 =	vand.u32 $0xFFFFFF80, v33  }
0x6e: {  	v43 =	vand.u32 $0x7F, v33;
	v32 =	vadd.s32 v37, v42  }
0x6f: {  	v37 =	vor.u32 v43, v32;
	_ =	sdelay $0x3  }
0x70: {  	v44 =	vld.idx.msk [tilespmem:v41+s10+$0x0], $0xffff  }
0x71: {  	v45 =	vld.idx.msk [tilespmem:v37+s14+$0x0], $0xffff;
	_ =	sdelay $0x4  }
0x72: {  	v32 =	vsub.f32 v44, v45;
	_ =	sdelay $0x1  }
0x73: {  	v46 =	vand.u32 $0xFFFFFF80, v25;
	v39 =	vor.u32 v7, v34;
	vm0 =	vge.f32 v32, $0.0e+00  }
0x74: {  	v25 =	vand.u32 $0x7F, v25;
	v38 =	vadd.s32 v46, v39;
	v40 =	vsel vm0, v17, v18  }
0x75: {  	v25 =	vor.u32 v25, v38;
	v32 =	vmul.f32 v40, v32  }
0x76: {  	v47 =	vadd.s32 v9, v35  }
0x77: {  	v32 =	vadd.f32 v32, v45;
	_ =	sdelay $0x1  }
0x78: {  	[tilespmem:v37+s14+$0x0] =	vst.idx.msk $0xffff, v32  }
0x79: {  	[tilespmem:v25+s14+$0x0] =	vst.idx.msk $0xffff, v31  }
0x7a: {  	v25 =	vld.idx.msk [tilespmem:v47+s2+$0x0], $0xffff;
	_ =	sdelay $0x4  }
0x7b: {  	v31 =	vand.u32 $0xFFFFFF80, v25  }
0x7c: {  	v48 =	vand.u32 $0x7F, v25;
	v31 =	vadd.s32 v39, v31  }
0x7d: {  	v36 =	vor.u32 v48, v31;
	_ =	sdelay $0x3  }
0x7e: {  	v31 =	vld.idx.msk [tilespmem:v47+s10+$0x0], $0xffff  }
0x7f: {  	v37 =	vld.idx.msk [tilespmem:v36+s14+$0x0], $0xffff;
	_ =	sdelay $0x4  }
0x80: {  	v31 =	vsub.f32 v31, v37;
	_ =	sdelay $0x1  }
0x81: {  	v49 =	vand.u32 $0xFFFFFF80, v24;
	v50 =	vor.u32 v6, v34;
	vm9 =	vge.f32 v31, $0.0e+00  }
0x82: {  	v24 =	vand.u32 $0x7F, v24;
	v38 =	vadd.s32 v49, v50;
	v51 =	vsel vm9, v17, v18  }
0x83: {  	v24 =	vor.u32 v24, v38;
	v31 =	vmul.f32 v51, v31  }
0x84: {  	v52 =	vadd.s32 v10, v35  }
0x85: {  	v31 =	vadd.f32 v31, v37;
	_ =	sdelay $0x1  }
0x86: {  	[tilespmem:v36+s14+$0x0] =	vst.idx.msk $0xffff, v31  }
0x87: {  	[tilespmem:v24+s14+$0x0] =	vst.idx.msk $0xffff, v30  }
0x88: {  	v24 =	vld.idx.msk [tilespmem:v52+s2+$0x0], $0xffff;
	_ =	sdelay $0x4  }
0x89: {  	v30 =	vand.u32 $0xFFFFFF80, v24  }
0x8a: {  	v53 =	vand.u32 $0x7F, v24;
	v30 =	vadd.s32 v50, v30  }
0x8b: {  	v36 =	vor.u32 v53, v30;
	_ =	sdelay $0x3  }
0x8c: {  	v30 =	vld.idx.msk [tilespmem:v52+s10+$0x0], $0xffff  }
0x8d: {  	v54 =	vld.idx.msk [tilespmem:v36+s14+$0x0], $0xffff;
	_ =	sdelay $0x4  }
0x8e: {  	v30 =	vsub.f32 v30, v54;
	_ =	sdelay $0x1  }
0x8f: {  	v55 =	vand.u32 $0xFFFFFF80, v23;
	v56 =	vor.u32 v5, v34;
	vm10 =	vge.f32 v30, $0.0e+00  }
0x90: {  	v23 =	vand.u32 $0x7F, v23;
	v38 =	vadd.s32 v55, v56;
	v57 =	vsel vm10, v17, v18  }
0x91: {  	v23 =	vor.u32 v23, v38;
	v30 =	vmul.f32 v57, v30  }
0x92: {  	v58 =	vadd.s32 v11, v35  }
0x93: {  	v30 =	vadd.f32 v30, v54;
	_ =	sdelay $0x1  }
0x94: {  	[tilespmem:v36+s14+$0x0] =	vst.idx.msk $0xffff, v30  }
0x95: {  	[tilespmem:v23+s14+$0x0] =	vst.idx.msk $0xffff, v29  }
0x96: {  	v23 =	vld.idx.msk [tilespmem:v58+s2+$0x0], $0xffff;
	_ =	sdelay $0x4  }
0x97: {  	v29 =	vand.u32 $0xFFFFFF80, v23  }
0x98: {  	v59 =	vand.u32 $0x7F, v23;
	v29 =	vadd.s32 v56, v29  }
0x99: {  	v36 =	vor.u32 v59, v29;
	_ =	sdelay $0x3  }
0x9a: {  	v29 =	vld.idx.msk [tilespmem:v58+s10+$0x0], $0xffff  }
0x9b: {  	v60 =	vld.idx.msk [tilespmem:v36+s14+$0x0], $0xffff;
	_ =	sdelay $0x4  }
0x9c: {  	v29 =	vsub.f32 v29, v60;
	_ =	sdelay $0x1  }
0x9d: {  	v61 =	vand.u32 $0xFFFFFF80, v22;
	v62 =	vor.u32 v4, v34;
	vm11 =	vge.f32 v29, $0.0e+00  }
0x9e: {  	v22 =	vand.u32 $0x7F, v22;
	v38 =	vadd.s32 v61, v62;
	v63 =	vsel vm11, v17, v18  }
0x9f: {  	v22 =	vor.u32 v22, v38;
	v29 =	vmul.f32 v63, v29  }
0xa0: {  	v44 =	vadd.s32 v12, v35  }
0xa1: {  	v29 =	vadd.f32 v29, v60;
	_ =	sdelay $0x1  }
0xa2: {  	[tilespmem:v36+s14+$0x0] =	vst.idx.msk $0xffff, v29  }
0xa3: {  	[tilespmem:v22+s14+$0x0] =	vst.idx.msk $0xffff, v28  }
0xa4: {  	v22 =	vld.idx.msk [tilespmem:v44+s2+$0x0], $0xffff;
	_ =	sdelay $0x4  }
0xa5: {  	v28 =	vand.u32 $0xFFFFFF80, v22  }
0xa6: {  	v45 =	vand.u32 $0x7F, v22;
	v28 =	vadd.s32 v62, v28  }
0xa7: {  	v36 =	vor.u32 v45, v28;
	_ =	sdelay $0x3  }
0xa8: {  	v28 =	vld.idx.msk [tilespmem:v44+s10+$0x0], $0xffff  }
0xa9: {  	v46 =	vld.idx.msk [tilespmem:v36+s14+$0x0], $0xffff;
	_ =	sdelay $0x4  }
0xaa: {  	v28 =	vsub.f32 v28, v46;
	_ =	sdelay $0x1  }
0xab: {  	v47 =	vand.u32 $0xFFFFFF80, v21;
	v48 =	vor.u32 v3, v34;
	vm12 =	vge.f32 v28, $0.0e+00  }
0xac: {  	v21 =	vand.u32 $0x7F, v21;
	v38 =	vadd.s32 v48, v47;
	v49 =	vsel vm12, v17, v18  }
0xad: {  	v21 =	vor.u32 v21, v38;
	v28 =	vmul.f32 v49, v28  }
0xae: {  	v50 =	vadd.s32 v13, v35  }
0xaf: {  	v28 =	vadd.f32 v28, v46;
	_ =	sdelay $0x1  }
0xb0: {  	[tilespmem:v36+s14+$0x0] =	vst.idx.msk $0xffff, v28  }
0xb1: {  	[tilespmem:v21+s14+$0x0] =	vst.idx.msk $0xffff, v27  }
0xb2: {  	v21 =	vld.idx.msk [tilespmem:v50+s2+$0x0], $0xffff;
	_ =	sdelay $0x4  }
0xb3: {  	v27 =	vand.u32 $0xFFFFFF80, v21  }
0xb4: {  	v51 =	vand.u32 $0x7F, v21;
	v27 =	vadd.s32 v48, v27  }
0xb5: {  	v36 =	vor.u32 v51, v27;
	_ =	sdelay $0x3  }
0xb6: {  	v27 =	vld.idx.msk [tilespmem:v50+s10+$0x0], $0xffff  }
0xb7: {  	v52 =	vld.idx.msk [tilespmem:v36+s14+$0x0], $0xffff;
	_ =	sdelay $0x4  }
0xb8: {  	v27 =	vsub.f32 v27, v52;
	_ =	sdelay $0x1  }
0xb9: {  	v53 =	vand.u32 $0xFFFFFF80, v20;
	v54 =	vor.u32 v2, v34;
	vm13 =	vge.f32 v27, $0.0e+00  }
0xba: {  	v20 =	vand.u32 $0x7F, v20;
	v38 =	vadd.s32 v54, v53;
	v55 =	vsel vm13, v17, v18  }
0xbb: {  	v20 =	vor.u32 v20, v38;
	v27 =	vmul.f32 v55, v27  }
0xbc: {  	v56 =	vadd.s32 v14, v35  }
0xbd: {  	v27 =	vadd.f32 v27, v52;
	_ =	sdelay $0x1  }
0xbe: {  	[tilespmem:v36+s14+$0x0] =	vst.idx.msk $0xffff, v27  }
0xbf: {  	[tilespmem:v20+s14+$0x0] =	vst.idx.msk $0xffff, v26  }
0xc0: {  	v20 =	vld.idx.msk [tilespmem:v56+s2+$0x0], $0xffff;
	_ =	sdelay $0x4  }
0xc1: {  	v26 =	vand.u32 $0xFFFFFF80, v20  }
0xc2: {  	v57 =	vand.u32 $0x7F, v20;
	v26 =	vadd.s32 v54, v26  }
0xc3: {  	v36 =	vor.u32 v57, v26;
	_ =	sdelay $0x3  }
0xc4: {  	v26 =	vld.idx.msk [tilespmem:v56+s10+$0x0], $0xffff  }
0xc5: {  	v58 =	vld.idx.msk [tilespmem:v36+s14+$0x0], $0xffff;
	_ =	sdelay $0x4  }
0xc6: {  	v26 =	vsub.f32 v26, v58;
	_ =	sdelay $0x1  }
0xc7: {  	v34 =	vor.u32 v1, v34;
	v59 =	vand.u32 $0xFFFFFF80, v19;
	vm14 =	vge.f32 v26, $0.0e+00  }
0xc8: {  	v19 =	vand.u32 $0x7F, v19;
	v38 =	vadd.s32 v34, v59;
	v60 =	vsel vm14, v17, v18  }
0xc9: {  	v19 =	vor.u32 v19, v38;
	v26 =	vmul.f32 v60, v26  }
0xca: {  	v35 =	vadd.s32 v15, v35  }
0xcb: {  	v26 =	vadd.f32 v26, v58;
	_ =	sdelay $0x1  }
0xcc: {  	[tilespmem:v36+s14+$0x0] =	vst.idx.msk $0xffff, v26  }
0xcd: {  	[tilespmem:v19+s14+$0x0] =	vst.idx.msk $0xffff, v16  }
0xce: {  	v19 =	vld.idx.msk [tilespmem:v35+s2+$0x0], $0xffff;
	_ =	sdelay $0x4  }
0xcf: {  	v16 =	vand.u32 $0xFFFFFF80, v19  }
0xd0: {  	v61 =	vand.u32 $0x7F, v19;
	v16 =	vadd.s32 v34, v16  }
0xd1: {  	v34 =	vor.u32 v61, v16;
	_ =	sdelay $0x3  }
0xd2: {  	v16 =	vld.idx.msk [tilespmem:v35+s10+$0x0], $0xffff  }
0xd3: {  	v62 =	vld.idx.msk [tilespmem:v34+s14+$0x0], $0xffff;
	_ =	sdelay $0x4  }
0xd4: {  	v16 =	vsub.f32 v16, v62;
	_ =	sdelay $0x1  }
0xd5: {  	vm15 =	vge.f32 v16, $0.0e+00  }
0xd6: {  	v63 =	vsel vm15, v17, v18  }
0xd7: {  	v16 =	vmul.f32 v63, v16;
	_ =	sdelay $0x1  }
0xd8: {  	v16 =	vadd.f32 v16, v62  }
0xd9: {  	p1 =	sne.s32 s20, $0x0  }
0xda: {  	s20 =	simm.s32 @!p1 $0x80;
	s21 =	simm.s32 @!p1 $0x6400;
	s22 =	simm.s32 @!p1 $0x10200;
	[tilespmem:v34+s14+$0x0] =	vst.idx.msk $0xffff, v16  }
0xdb: {  	[hbm4b:s18+s20] =	stream.strided.scatter @!p1 [tilespmem:s22], [sflag:$0x1], $0x4000, s21, s20, $0x38;
	[tilespmem:$0x18200] =	vst v63  }
0xdc: {  	s20 =	simm.s32 @p0 $0x80;
	s21 =	simm.s32 @p0 $0x6400;
	s22 =	simm.s32 @p0 $0x14200  }
0xdd: {  	[hbm4b:s18+s20] =	stream.strided.scatter @p0 [tilespmem:s22], [sflag:$0x2], $0x4000, s21, s20, $0x38;
	[tilespmem:$0x18200] =	vst v63  }
0xde: {  	s21 =	sadd.s32 $0x2, s19  }
0xdf: {  	p0 =	sne.s32 s21, $0xC8  }
.Ltmp1:
0xe0: {  	_ = 	snop;
	(pc) =	sbr.rel @p0 .LBB2_4-.Ltmp1, $2  }
0xe1: {  	_ =	sdelay $0x2  }
0xe2: {  	s18 =	sadd.s32 $0x10, s18  }
0xe3: {  	s17 =	sadd.s32 $0x1, s17  }
0xe4: {  	_ =	swait.ge [sflag:s15], $0x4000;
	p0 =	sne.s32 s17, s7  }
.Ltmp2:
0xe5: {  	[sflag:s15] =	ssyncset.done $0x0;
	(pc) =	sbr.rel @p0 .LBB2_1-.Ltmp2, $4  }
0xe6: {  	[sflag:s15] =	ssyncadd.s32 $0xFFFFC000  }
0xe7: {  	_ =	swait.ge [sflag:s16], $0x4000  }
0xe8: {  	[sflag:s16] =	ssyncset.done $0x0  }
0xe9: {  	[sflag:s16] =	ssyncadd.s32 $0xFFFFC000  }
0xea: {  	_ =	sfence.sel $0x180000  }
0xeb: {  	[bflag:$0x0] =	sbarrier.arrive $0xFFFF  }
0xec: {  	p0 =	sne.s32 s0, $0x0;
	_ =	strace $0x90000047  }
0xed: {  	s0 =	sadd.s32 @!p0 $0x100000, s1;
	[bflag:$0x2] =	sbarrier.arrive $0xFFFF  }
0xee: {  	[sflag:s0] =	ssyncadd.tile.s32 @!p0 $0x1;
	_ =	shalt  }
.Lfunc_end2:
_tile_overlayer_lowered:
.L_overlay_start_2:
0xef: {  	(tag) =	ssettag $0x2  }
0xf0: {  	s0 =	rddreg [dreg:$0x0];
	s2 =	stileid.u32  }
0xf1: {  	s1 =	rddreg [dreg:$0x1];
	p0 =	sne.s32 s2, $0x0  }
0xf2: {  	s3 =	rddreg [dreg:$0x2];
	[bflag:$0x3] =	sbarrier.arrive $0xFFFF;
	s2 =	simm.s32 @!p0 $0x1C03  }
0xf3: {  	[timem:s3], [sflag:s2] =	dma.local @!p0 [hbm:s0], s1  }
0xf4: {  	s0 =	simm.s32 @!p0 $0x3  }
0xf5: {  	_ =	swait.ge @!p0 [sflag:s0], s1  }
0xf6: {  	s1 =	ssub.s32 @!p0 $0x0, s1;
	[sflag:s0] =	ssyncset.done @!p0 $0x0  }
0xf7: {  	[sflag:s0] =	ssyncadd.s32 @!p0 s1  }
0xf8: {  	[bflag:$0x3] =	sbarrier.arrive $0xFFFF  }
0xf9: {  	_ =	shalt  }

</sc_bundles>
